<compile_context>
chip_gen: v7x
topology: tpu7x:2x2x1
jax: 0.10.2.dev20260603
libtpu: 0.0.44.dev20260713+nightly
codegen_flags: <defaults>
</compile_context>

<pallas_src>
import functools

import jax
import jax.numpy as jnp
from jax import lax
from jax.experimental import pallas as pl
from jax.experimental.pallas import tpu as pltpu
from jax.experimental.pallas import tpu_sc as plsc

VOCAB = 100000
EMB = 32
WINDOW = 200
NEG = 50
TOTAL = WINDOW + NEG
PAD = 256
NSUB = 16
ROWS_PER_SUB = PAD // NSUB

LN2 = 0.6931471805599453
SQRT2 = 1.4142135623730951


def _log_f32(w):
    u = lax.bitcast_convert_type(w, jnp.int32)
    e = lax.shift_right_logical(u, 23) - 127
    m = lax.bitcast_convert_type(
        (u & 0x007FFFFF) | 0x3F800000, jnp.float32)
    c = m > SQRT2
    m2 = jnp.where(c, m * 0.5, m)
    e2 = (e + c.astype(jnp.int32)).astype(jnp.float32)
    z = (m2 - 1.0) / (m2 + 1.0)
    z2 = z * z
    lnm = 2.0 * z * (1.0 + z2 * ((1.0 / 3.0) + z2 * ((1.0 / 5.0) + z2 * (1.0 / 7.0))))
    return e2 * LN2 + lnm


def _sc_body(table_hbm, prev_hbm, neg_hbm, x_hbm, out_hbm,
             idx_v, rows_v, tgt_v, loss_v, acc_v, shared, out_v,
             sem_rows, sem_tgt, sem_idx):
    sid = lax.axis_index("s")

    idx_v[pl.ds(0, NSUB)] = jnp.zeros((NSUB,), jnp.int32)
    idx_v[pl.ds(NSUB, NSUB)] = jnp.zeros((NSUB,), jnp.int32)

    x_cp = pltpu.make_async_copy(x_hbm, idx_v.at[pl.ds(NSUB, 1)], sem_tgt)
    x_cp.start()

    @pl.when(sid < 12)
    def _():
        pltpu.sync_copy(prev_hbm.at[pl.ds(sid * NSUB, NSUB)],
                        idx_v.at[pl.ds(0, NSUB)])

    @pl.when(sid == 12)
    def _():
        cp1 = pltpu.make_async_copy(
            prev_hbm.at[pl.ds(192, 8)], idx_v.at[pl.ds(0, 8)], sem_idx)
        cp2 = pltpu.make_async_copy(
            neg_hbm.at[pl.ds(0, 8)], idx_v.at[pl.ds(8, 8)], sem_idx)
        cp1.start()
        cp2.start()
        cp1.wait()
        cp2.wait()

    @pl.when(sid == 13)
    def _():
        pltpu.sync_copy(neg_hbm.at[pl.ds(8, 16)], idx_v.at[pl.ds(0, 16)])

    @pl.when(sid == 14)
    def _():
        pltpu.sync_copy(neg_hbm.at[pl.ds(24, 16)], idx_v.at[pl.ds(0, 16)])

    @pl.when(sid == 15)
    def _():
        cp1 = pltpu.make_async_copy(
            neg_hbm.at[pl.ds(40, 8)], idx_v.at[pl.ds(0, 8)], sem_idx)
        cp2 = pltpu.make_async_copy(
            neg_hbm.at[pl.ds(48, 2)], idx_v.at[pl.ds(8, 2)], sem_idx)
        cp1.start()
        cp2.start()
        cp1.wait()
        cp2.wait()

    x_cp.wait()

    iv_lo = idx_v[pl.ds(0, NSUB)]
    iv_hi = idx_v[pl.ds(NSUB, NSUB)]

    copies = []
    for r in range(ROWS_PER_SUB):
        cp = pltpu.make_async_copy(
            table_hbm.at[iv_lo[r]], rows_v.at[r], sem_rows)
        cp.start()
        copies.append(cp)
    tgt_cp = pltpu.make_async_copy(table_hbm.at[iv_hi[0]], tgt_v.at[0],
                                   sem_tgt)
    tgt_cp.start()
    for cp in copies:
        cp.wait()
    tgt_cp.wait()

    lanes = jnp.arange(NSUB, dtype=jnp.int32)

    tg_lo = tgt_v[0, pl.ds(0, NSUB)]
    tg_hi = tgt_v[0, pl.ds(NSUB, NSUB)]
    acc = jnp.zeros((NSUB,), jnp.float32)
    for r in range(ROWS_PER_SUB):
        lo = rows_v[r, pl.ds(0, NSUB)]
        hi = rows_v[r, pl.ds(NSUB, NSUB)]
        s = jnp.sum(lo * tg_lo + hi * tg_hi)
        acc = jnp.where(lanes == r, s, acc)

    r = sid * ROWS_PER_SUB + lanes
    is_pos = r < WINDOW
    w = jnp.where(is_pos, 1.0 / WINDOW,
                  jnp.where(r < TOTAL, 1.0 / NEG, 0.0))
    sgn = jnp.where(is_pos, -1.0, 1.0)
    zarg = sgn * acc
    sp = _log_f32(1.0 + jnp.exp(zarg))

    acc_v[...] = w * sp
    pltpu.sync_copy(acc_v, shared.at[sid])
    plsc.subcore_barrier()

    @pl.when(sid == 0)
    def _():
        pltpu.sync_copy(shared, loss_v)
        tot = jnp.zeros((NSUB,), jnp.float32)
        for i in range(NSUB):
            tot = tot + loss_v[i, :]
        out_v[...] = jnp.sum(tot) * jnp.ones((NSUB,), jnp.float32)
        pltpu.sync_copy(out_v, out_hbm)


@functools.partial(jax.jit, static_argnames=())
def _run(table, prev_context, neg_context, xarr):
    mesh = plsc.VectorSubcoreMesh(
        core_axis_name="c", subcore_axis_name="s", num_cores=1)
    return pl.kernel(
        _sc_body,
        out_type=jax.ShapeDtypeStruct((NSUB,), jnp.float32),
        mesh=mesh,
        scratch_types=[
            pltpu.VMEM((2 * NSUB,), jnp.int32),
            pltpu.VMEM((ROWS_PER_SUB, EMB), jnp.float32),
            pltpu.VMEM((1, EMB), jnp.float32),
            pltpu.VMEM((NSUB, NSUB), jnp.float32),
            pltpu.VMEM((NSUB,), jnp.float32),
            pltpu.VMEM_SHARED((NSUB, NSUB), jnp.float32),
            pltpu.VMEM((NSUB,), jnp.float32),
            pltpu.SemaphoreType.DMA,
            pltpu.SemaphoreType.DMA,
            pltpu.SemaphoreType.DMA,
        ],
        compiler_params=pltpu.CompilerParams(
            needs_layout_passes=False, skip_device_barrier=True),
        name="koha_input_layer_sc",
    )(table, prev_context, neg_context, xarr)


def kernel(table, prev_context, neg_context, x):
    xarr = jnp.asarray(x, jnp.int32).reshape(1)
    out = _run(table, prev_context.astype(jnp.int32),
               neg_context.astype(jnp.int32), xarr)
    return out[0]

# --- scband reference (transcript-rebuilt; emitter-appended) ---
"""Pipeline reference for scband-koha-input-layer-74526272520382 (READ-ONLY COPY).

The authoritative reference and input builder live on the scoring server;
editing this copy changes nothing except your own understanding.
"""

import jax, jax.numpy as jnp
import numpy as np

VOCAB = 100000
EMB = 32
WINDOW = 200
NEG = 50
EPS = 1e-15


def setup_inputs(seed: int = 0) -> dict:
    key = jax.random.key(seed)
    k1, k2, k3 = jax.random.split(key, 3)
    # signature embedding table (kaiming_uniform-like init scale)
    bound = 1.0 / np.sqrt(EMB)
    table = jax.random.uniform(k1, (VOCAB, EMB), jnp.float32, minval=-bound, maxval=bound)
    # previous_winners context tokens (positive samples)
    prev_context = jax.random.randint(k2, (WINDOW,), 0, VOCAB, dtype=jnp.int32)
    # negative context tokens drawn from the negative unigram buffer
    neg_context = jax.random.randint(k3, (NEG,), 0, VOCAB, dtype=jnp.int32)
    x = 777  # current token id (scalar int)
    return {"table": table, "prev_context": prev_context, "neg_context": neg_context, "x": x}


def reference(table, prev_context, neg_context, x):
    # target embedding: same token x repeated for every context position
    tgt = jnp.take(table, jnp.asarray(x, dtype=jnp.int32), axis=0)  # [EMB]
    # positive loss: previous winners vs current token
    ctx_p = jnp.take(table, prev_context, axis=0)  # [WINDOW, EMB]
    out_p = (ctx_p * tgt[None, :]).sum(axis=-1).reshape(-1)
    positive_loss = -jnp.log(jax.nn.sigmoid(out_p) + EPS).mean()
    # negative loss: sampled negative contexts vs current token
    ctx_n = jnp.take(table, neg_context, axis=0)  # [NEG, EMB]
    out_n = (ctx_n * tgt[None, :]).sum(axis=-1).reshape(-1)
    negative_loss = -jnp.log(1.0 - jax.nn.sigmoid(out_n) + EPS).mean()
    return positive_loss + negative_loss

if __name__ == "__main__":
    import jax
    _d = setup_inputs()
    print(jax.jit(kernel)(*tuple(_d.values())))

</pallas_src>

<mosaic_0001>
#map = affine_map<(d0, d1) -> (0, 0)>
#map1 = affine_map<(d0, d1) -> (0)>
module attributes {stable_mosaic.version = 14 : i64} {
  func.func @koha_input_layer_sc(%arg0: i32, %arg1: i32, %arg2: memref<100000x32xf32, #tpu.memory_space<hbm>>, %arg3: memref<200xi32, #tpu.memory_space<hbm>>, %arg4: memref<50xi32, #tpu.memory_space<hbm>>, %arg5: memref<1xi32, #tpu.memory_space<hbm>>, %arg6: memref<16xf32, #tpu.memory_space<hbm>>, %arg7: memref<32xi32, #tpu.memory_space<vmem>>, %arg8: memref<16x32xf32, #tpu.memory_space<vmem>>, %arg9: memref<1x32xf32, #tpu.memory_space<vmem>>, %arg10: memref<16x16xf32, #tpu.memory_space<vmem>>, %arg11: memref<16xf32, #tpu.memory_space<vmem>>, %arg12: memref<16x16xf32, #tpu.memory_space<vmem_shared>>, %arg13: memref<16xf32, #tpu.memory_space<vmem>>, %arg14: memref<!tpu.dma_semaphore, #tpu.memory_space<semaphore_mem>>, %arg15: memref<!tpu.dma_semaphore, #tpu.memory_space<semaphore_mem>>, %arg16: memref<!tpu.dma_semaphore, #tpu.memory_space<semaphore_mem>>) attributes {dimension_semantics = [#tpu.dimension_semantics<core_parallel>, #tpu.dimension_semantics<subcore_parallel>], iteration_bounds = array<i64: 1, 16>, scalar_prefetch = 0 : i64, scratch_operands = 10 : i64, tpu.core_type = #tpu.core_type<sc_vector_subcore>, window_params = [{transform_indices = #map}, {transform_indices = #map1}, {transform_indices = #map1}, {transform_indices = #map1}, {transform_indices = #map1}]} {
    %broadcast_in_dim3A = arith.constant 0 : i32
    %broadcast_in_dim3A_0 = vector.broadcast %broadcast_in_dim3A : i32 to vector<16xi32>
    %swap3A = arith.constant 0 : index
    %swap3A_1 = tpu.vector_load %arg7[%swap3A] {strides = array<i32>} : memref<32xi32, #tpu.memory_space<vmem>>, vector<16xi32>,
    tpu.vector_store %arg7[%swap3A], %broadcast_in_dim3A_0 {strides = array<i32>} : memref<32xi32, #tpu.memory_space<vmem>>, vector<16xi32>,
    %broadcast_in_dim3A_2 = arith.constant 0 : i32
    %broadcast_in_dim3A_3 = vector.broadcast %broadcast_in_dim3A_2 : i32 to vector<16xi32>
    %swap3A_4 = arith.constant 16 : index
    %swap3A_5 = tpu.vector_load %arg7[%swap3A_4] {strides = array<i32>} : memref<32xi32, #tpu.memory_space<vmem>>, vector<16xi32>,
    tpu.vector_store %arg7[%swap3A_4], %broadcast_in_dim3A_3 {strides = array<i32>} : memref<32xi32, #tpu.memory_space<vmem>>, vector<16xi32>,
    %dma_start3A = arith.constant 16 : i32
    %dma_start3A_6 = tpu.memref_slice %arg7[%dma_start3A] : memref<32xi32, #tpu.memory_space<vmem>> -> memref<1xi32, #tpu.memory_space<vmem>>
    %dma_start3A_7 = arith.constant 16 : i32
    %dma_start3A_8 = tpu.memref_slice %arg7[%dma_start3A_7] : memref<32xi32, #tpu.memory_space<vmem>> -> memref<1xi32, #tpu.memory_space<vmem>>
    tpu.enqueue_dma source(%arg5 : memref<1xi32, #tpu.memory_space<hbm>>) target(%dma_start3A_8 : memref<1xi32, #tpu.memory_space<vmem>>) target_semaphore(%arg15 : memref<!tpu.dma_semaphore, #tpu.memory_space<semaphore_mem>>)
    %lt3A = arith.constant 12 : i32
    %lt3A_9 = arith.cmpi slt, %arg1, %lt3A : i32
    %convert_element_type3A = arith.extui %lt3A_9 : i1 to i32
    %cond3A = arith.constant 0 : i32
    %cond3A_10 = arith.cmpi ne, %convert_element_type3A, %cond3A : i32
    scf.if %cond3A_10 {
      %mul3A_917 = arith.constant 16 : i32
      %mul3A_918 = arith.muli %arg1, %mul3A_917 : i32
      "tpu.region"() ({
        %run_scoped3A = tpu.sem_alloc : memref<!tpu.dma_semaphore, #tpu.memory_space<semaphore_mem>>
        %dma_start3A_919 = arith.constant 0 : i32
        %dma_start3A_920 = tpu.memref_slice %arg7[%dma_start3A_919] : memref<32xi32, #tpu.memory_space<vmem>> -> memref<16xi32, #tpu.memory_space<vmem>>
        %dma_start3A_921 = tpu.memref_slice %arg3[%mul3A_918] : memref<200xi32, #tpu.memory_space<hbm>> -> memref<16xi32, #tpu.memory_space<hbm>>
        %dma_start3A_922 = arith.constant 0 : i32
        %dma_start3A_923 = tpu.memref_slice %arg7[%dma_start3A_922] : memref<32xi32, #tpu.memory_space<vmem>> -> memref<16xi32, #tpu.memory_space<vmem>>
        %dma_start3A_924 = tpu.memref_slice %arg3[%mul3A_918] : memref<200xi32, #tpu.memory_space<hbm>> -> memref<16xi32, #tpu.memory_space<hbm>>
        tpu.enqueue_dma source(%dma_start3A_924 : memref<16xi32, #tpu.memory_space<hbm>>) target(%dma_start3A_923 : memref<16xi32, #tpu.memory_space<vmem>>) target_semaphore(%run_scoped3A : memref<!tpu.dma_semaphore, #tpu.memory_space<semaphore_mem>>)
        %dma_wait3A_925 = arith.constant 0 : i32
        %dma_wait3A_926 = tpu.memref_slice %arg7[%dma_wait3A_925] : memref<32xi32, #tpu.memory_space<vmem>> -> memref<16xi32, #tpu.memory_space<vmem>>
        %dma_wait3A_927 = tpu.memref_slice %arg3[%mul3A_918] : memref<200xi32, #tpu.memory_space<hbm>> -> memref<16xi32, #tpu.memory_space<hbm>>
        %dma_wait3A_928 = arith.constant 0 : i32
        %dma_wait3A_929 = tpu.memref_slice %arg7[%dma_wait3A_928] : memref<32xi32, #tpu.memory_space<vmem>> -> memref<16xi32, #tpu.memory_space<vmem>>
        %dma_wait3A_930 = tpu.memref_slice %arg3[%mul3A_918] : memref<200xi32, #tpu.memory_space<hbm>> -> memref<16xi32, #tpu.memory_space<hbm>>
        tpu.wait_dma2 semaphore(%run_scoped3A : memref<!tpu.dma_semaphore, #tpu.memory_space<semaphore_mem>>) src(%dma_wait3A_930 : memref<16xi32, #tpu.memory_space<hbm>>) dst(%dma_wait3A_929 : memref<16xi32, #tpu.memory_space<vmem>>)
        tpu.yield
      }) : () -> ()
    } else {
    }
    %eq3A = arith.constant 12 : i32
    %eq3A_11 = arith.cmpi eq, %arg1, %eq3A : i32
    %convert_element_type3A_12 = arith.extui %eq3A_11 : i1 to i32
    %cond3A_13 = arith.constant 0 : i32
    %cond3A_14 = arith.cmpi ne, %convert_element_type3A_12, %cond3A_13 : i32
    scf.if %cond3A_14 {
      %dma_start3A_917 = arith.constant 0 : i32
      %dma_start3A_918 = tpu.memref_slice %arg7[%dma_start3A_917] : memref<32xi32, #tpu.memory_space<vmem>> -> memref<8xi32, #tpu.memory_space<vmem>>
      %dma_start3A_919 = arith.constant 192 : i32
      %dma_start3A_920 = tpu.memref_slice %arg3[%dma_start3A_919] : memref<200xi32, #tpu.memory_space<hbm>> -> memref<8xi32, #tpu.memory_space<hbm>>
      %dma_start3A_921 = arith.constant 0 : i32
      %dma_start3A_922 = tpu.memref_slice %arg7[%dma_start3A_921] : memref<32xi32, #tpu.memory_space<vmem>> -> memref<8xi32, #tpu.memory_space<vmem>>
      %dma_start3A_923 = arith.constant 192 : i32
      %dma_start3A_924 = tpu.memref_slice %arg3[%dma_start3A_923] : memref<200xi32, #tpu.memory_space<hbm>> -> memref<8xi32, #tpu.memory_space<hbm>>
      tpu.enqueue_dma source(%dma_start3A_924 : memref<8xi32, #tpu.memory_space<hbm>>) target(%dma_start3A_922 : memref<8xi32, #tpu.memory_space<vmem>>) target_semaphore(%arg16 : memref<!tpu.dma_semaphore, #tpu.memory_space<semaphore_mem>>)
      %dma_start3A_925 = arith.constant 8 : i32
      %dma_start3A_926 = tpu.memref_slice %arg7[%dma_start3A_925] : memref<32xi32, #tpu.memory_space<vmem>> -> memref<8xi32, #tpu.memory_space<vmem>>
      %dma_start3A_927 = arith.constant 0 : i32
      %dma_start3A_928 = tpu.memref_slice %arg4[%dma_start3A_927] : memref<50xi32, #tpu.memory_space<hbm>> -> memref<8xi32, #tpu.memory_space<hbm>>
      %dma_start3A_929 = arith.constant 8 : i32
      %dma_start3A_930 = tpu.memref_slice %arg7[%dma_start3A_929] : memref<32xi32, #tpu.memory_space<vmem>> -> memref<8xi32, #tpu.memory_space<vmem>>
      %dma_start3A_931 = arith.constant 0 : i32
      %dma_start3A_932 = tpu.memref_slice %arg4[%dma_start3A_931] : memref<50xi32, #tpu.memory_space<hbm>> -> memref<8xi32, #tpu.memory_space<hbm>>
      tpu.enqueue_dma source(%dma_start3A_932 : memref<8xi32, #tpu.memory_space<hbm>>) target(%dma_start3A_930 : memref<8xi32, #tpu.memory_space<vmem>>) target_semaphore(%arg16 : memref<!tpu.dma_semaphore, #tpu.memory_space<semaphore_mem>>)
      %dma_wait3A_933 = arith.constant 0 : i32
      %dma_wait3A_934 = tpu.memref_slice %arg7[%dma_wait3A_933] : memref<32xi32, #tpu.memory_space<vmem>> -> memref<8xi32, #tpu.memory_space<vmem>>
      %dma_wait3A_935 = arith.constant 192 : i32
      %dma_wait3A_936 = tpu.memref_slice %arg3[%dma_wait3A_935] : memref<200xi32, #tpu.memory_space<hbm>> -> memref<8xi32, #tpu.memory_space<hbm>>
      %dma_wait3A_937 = arith.constant 0 : i32
      %dma_wait3A_938 = tpu.memref_slice %arg7[%dma_wait3A_937] : memref<32xi32, #tpu.memory_space<vmem>> -> memref<8xi32, #tpu.memory_space<vmem>>
      %dma_wait3A_939 = arith.constant 192 : i32
      %dma_wait3A_940 = tpu.memref_slice %arg3[%dma_wait3A_939] : memref<200xi32, #tpu.memory_space<hbm>> -> memref<8xi32, #tpu.memory_space<hbm>>
      tpu.wait_dma2 semaphore(%arg16 : memref<!tpu.dma_semaphore, #tpu.memory_space<semaphore_mem>>) src(%dma_wait3A_940 : memref<8xi32, #tpu.memory_space<hbm>>) dst(%dma_wait3A_938 : memref<8xi32, #tpu.memory_space<vmem>>)
      %dma_wait3A_941 = arith.constant 8 : i32
      %dma_wait3A_942 = tpu.memref_slice %arg7[%dma_wait3A_941] : memref<32xi32, #tpu.memory_space<vmem>> -> memref<8xi32, #tpu.memory_space<vmem>>
      %dma_wait3A_943 = arith.constant 0 : i32
      %dma_wait3A_944 = tpu.memref_slice %arg4[%dma_wait3A_943] : memref<50xi32, #tpu.memory_space<hbm>> -> memref<8xi32, #tpu.memory_space<hbm>>
      %dma_wait3A_945 = arith.constant 8 : i32
      %dma_wait3A_946 = tpu.memref_slice %arg7[%dma_wait3A_945] : memref<32xi32, #tpu.memory_space<vmem>> -> memref<8xi32, #tpu.memory_space<vmem>>
      %dma_wait3A_947 = arith.constant 0 : i32
      %dma_wait3A_948 = tpu.memref_slice %arg4[%dma_wait3A_947] : memref<50xi32, #tpu.memory_space<hbm>> -> memref<8xi32, #tpu.memory_space<hbm>>
      tpu.wait_dma2 semaphore(%arg16 : memref<!tpu.dma_semaphore, #tpu.memory_space<semaphore_mem>>) src(%dma_wait3A_948 : memref<8xi32, #tpu.memory_space<hbm>>) dst(%dma_wait3A_946 : memref<8xi32, #tpu.memory_space<vmem>>)
    } else {
    }
    %eq3A_15 = arith.constant 13 : i32
    %eq3A_16 = arith.cmpi eq, %arg1, %eq3A_15 : i32
    %convert_element_type3A_17 = arith.extui %eq3A_16 : i1 to i32
    %cond3A_18 = arith.constant 0 : i32
    %cond3A_19 = arith.cmpi ne, %convert_element_type3A_17, %cond3A_18 : i32
    scf.if %cond3A_19 {
      "tpu.region"() ({
        %run_scoped3A = tpu.sem_alloc : memref<!tpu.dma_semaphore, #tpu.memory_space<semaphore_mem>>
        %dma_start3A_917 = arith.constant 0 : i32
        %dma_start3A_918 = tpu.memref_slice %arg7[%dma_start3A_917] : memref<32xi32, #tpu.memory_space<vmem>> -> memref<16xi32, #tpu.memory_space<vmem>>
        %dma_start3A_919 = arith.constant 8 : i32
        %dma_start3A_920 = tpu.memref_slice %arg4[%dma_start3A_919] : memref<50xi32, #tpu.memory_space<hbm>> -> memref<16xi32, #tpu.memory_space<hbm>>
        %dma_start3A_921 = arith.constant 0 : i32
        %dma_start3A_922 = tpu.memref_slice %arg7[%dma_start3A_921] : memref<32xi32, #tpu.memory_space<vmem>> -> memref<16xi32, #tpu.memory_space<vmem>>
        %dma_start3A_923 = arith.constant 8 : i32
        %dma_start3A_924 = tpu.memref_slice %arg4[%dma_start3A_923] : memref<50xi32, #tpu.memory_space<hbm>> -> memref<16xi32, #tpu.memory_space<hbm>>
        tpu.enqueue_dma source(%dma_start3A_924 : memref<16xi32, #tpu.memory_space<hbm>>) target(%dma_start3A_922 : memref<16xi32, #tpu.memory_space<vmem>>) target_semaphore(%run_scoped3A : memref<!tpu.dma_semaphore, #tpu.memory_space<semaphore_mem>>)
        %dma_wait3A_925 = arith.constant 0 : i32
        %dma_wait3A_926 = tpu.memref_slice %arg7[%dma_wait3A_925] : memref<32xi32, #tpu.memory_space<vmem>> -> memref<16xi32, #tpu.memory_space<vmem>>
        %dma_wait3A_927 = arith.constant 8 : i32
        %dma_wait3A_928 = tpu.memref_slice %arg4[%dma_wait3A_927] : memref<50xi32, #tpu.memory_space<hbm>> -> memref<16xi32, #tpu.memory_space<hbm>>
        %dma_wait3A_929 = arith.constant 0 : i32
        %dma_wait3A_930 = tpu.memref_slice %arg7[%dma_wait3A_929] : memref<32xi32, #tpu.memory_space<vmem>> -> memref<16xi32, #tpu.memory_space<vmem>>
        %dma_wait3A_931 = arith.constant 8 : i32
        %dma_wait3A_932 = tpu.memref_slice %arg4[%dma_wait3A_931] : memref<50xi32, #tpu.memory_space<hbm>> -> memref<16xi32, #tpu.memory_space<hbm>>
        tpu.wait_dma2 semaphore(%run_scoped3A : memref<!tpu.dma_semaphore, #tpu.memory_space<semaphore_mem>>) src(%dma_wait3A_932 : memref<16xi32, #tpu.memory_space<hbm>>) dst(%dma_wait3A_930 : memref<16xi32, #tpu.memory_space<vmem>>)
        tpu.yield
      }) : () -> ()
    } else {
    }
    %eq3A_20 = arith.constant 14 : i32
    %eq3A_21 = arith.cmpi eq, %arg1, %eq3A_20 : i32
    %convert_element_type3A_22 = arith.extui %eq3A_21 : i1 to i32
    %cond3A_23 = arith.constant 0 : i32
    %cond3A_24 = arith.cmpi ne, %convert_element_type3A_22, %cond3A_23 : i32
    scf.if %cond3A_24 {
      "tpu.region"() ({
        %run_scoped3A = tpu.sem_alloc : memref<!tpu.dma_semaphore, #tpu.memory_space<semaphore_mem>>
        %dma_start3A_917 = arith.constant 0 : i32
        %dma_start3A_918 = tpu.memref_slice %arg7[%dma_start3A_917] : memref<32xi32, #tpu.memory_space<vmem>> -> memref<16xi32, #tpu.memory_space<vmem>>
        %dma_start3A_919 = arith.constant 24 : i32
        %dma_start3A_920 = tpu.memref_slice %arg4[%dma_start3A_919] : memref<50xi32, #tpu.memory_space<hbm>> -> memref<16xi32, #tpu.memory_space<hbm>>
        %dma_start3A_921 = arith.constant 0 : i32
        %dma_start3A_922 = tpu.memref_slice %arg7[%dma_start3A_921] : memref<32xi32, #tpu.memory_space<vmem>> -> memref<16xi32, #tpu.memory_space<vmem>>
        %dma_start3A_923 = arith.constant 24 : i32
        %dma_start3A_924 = tpu.memref_slice %arg4[%dma_start3A_923] : memref<50xi32, #tpu.memory_space<hbm>> -> memref<16xi32, #tpu.memory_space<hbm>>
        tpu.enqueue_dma source(%dma_start3A_924 : memref<16xi32, #tpu.memory_space<hbm>>) target(%dma_start3A_922 : memref<16xi32, #tpu.memory_space<vmem>>) target_semaphore(%run_scoped3A : memref<!tpu.dma_semaphore, #tpu.memory_space<semaphore_mem>>)
        %dma_wait3A_925 = arith.constant 0 : i32
        %dma_wait3A_926 = tpu.memref_slice %arg7[%dma_wait3A_925] : memref<32xi32, #tpu.memory_space<vmem>> -> memref<16xi32, #tpu.memory_space<vmem>>
        %dma_wait3A_927 = arith.constant 24 : i32
        %dma_wait3A_928 = tpu.memref_slice %arg4[%dma_wait3A_927] : memref<50xi32, #tpu.memory_space<hbm>> -> memref<16xi32, #tpu.memory_space<hbm>>
        %dma_wait3A_929 = arith.constant 0 : i32
        %dma_wait3A_930 = tpu.memref_slice %arg7[%dma_wait3A_929] : memref<32xi32, #tpu.memory_space<vmem>> -> memref<16xi32, #tpu.memory_space<vmem>>
        %dma_wait3A_931 = arith.constant 24 : i32
        %dma_wait3A_932 = tpu.memref_slice %arg4[%dma_wait3A_931] : memref<50xi32, #tpu.memory_space<hbm>> -> memref<16xi32, #tpu.memory_space<hbm>>
        tpu.wait_dma2 semaphore(%run_scoped3A : memref<!tpu.dma_semaphore, #tpu.memory_space<semaphore_mem>>) src(%dma_wait3A_932 : memref<16xi32, #tpu.memory_space<hbm>>) dst(%dma_wait3A_930 : memref<16xi32, #tpu.memory_space<vmem>>)
        tpu.yield
      }) : () -> ()
    } else {
    }
    %eq3A_25 = arith.constant 15 : i32
    %eq3A_26 = arith.cmpi eq, %arg1, %eq3A_25 : i32
    %convert_element_type3A_27 = arith.extui %eq3A_26 : i1 to i32
    %cond3A_28 = arith.constant 0 : i32
    %cond3A_29 = arith.cmpi ne, %convert_element_type3A_27, %cond3A_28 : i32
    scf.if %cond3A_29 {
      %dma_start3A_917 = arith.constant 0 : i32
      %dma_start3A_918 = tpu.memref_slice %arg7[%dma_start3A_917] : memref<32xi32, #tpu.memory_space<vmem>> -> memref<8xi32, #tpu.memory_space<vmem>>
      %dma_start3A_919 = arith.constant 40 : i32
      %dma_start3A_920 = tpu.memref_slice %arg4[%dma_start3A_919] : memref<50xi32, #tpu.memory_space<hbm>> -> memref<8xi32, #tpu.memory_space<hbm>>
      %dma_start3A_921 = arith.constant 0 : i32
      %dma_start3A_922 = tpu.memref_slice %arg7[%dma_start3A_921] : memref<32xi32, #tpu.memory_space<vmem>> -> memref<8xi32, #tpu.memory_space<vmem>>
      %dma_start3A_923 = arith.constant 40 : i32
      %dma_start3A_924 = tpu.memref_slice %arg4[%dma_start3A_923] : memref<50xi32, #tpu.memory_space<hbm>> -> memref<8xi32, #tpu.memory_space<hbm>>
      tpu.enqueue_dma source(%dma_start3A_924 : memref<8xi32, #tpu.memory_space<hbm>>) target(%dma_start3A_922 : memref<8xi32, #tpu.memory_space<vmem>>) target_semaphore(%arg16 : memref<!tpu.dma_semaphore, #tpu.memory_space<semaphore_mem>>)
      %dma_start3A_925 = arith.constant 8 : i32
      %dma_start3A_926 = tpu.memref_slice %arg7[%dma_start3A_925] : memref<32xi32, #tpu.memory_space<vmem>> -> memref<2xi32, #tpu.memory_space<vmem>>
      %dma_start3A_927 = arith.constant 48 : i32
      %dma_start3A_928 = tpu.memref_slice %arg4[%dma_start3A_927] : memref<50xi32, #tpu.memory_space<hbm>> -> memref<2xi32, #tpu.memory_space<hbm>>
      %dma_start3A_929 = arith.constant 8 : i32
      %dma_start3A_930 = tpu.memref_slice %arg7[%dma_start3A_929] : memref<32xi32, #tpu.memory_space<vmem>> -> memref<2xi32, #tpu.memory_space<vmem>>
      %dma_start3A_931 = arith.constant 48 : i32
      %dma_start3A_932 = tpu.memref_slice %arg4[%dma_start3A_931] : memref<50xi32, #tpu.memory_space<hbm>> -> memref<2xi32, #tpu.memory_space<hbm>>
      tpu.enqueue_dma source(%dma_start3A_932 : memref<2xi32, #tpu.memory_space<hbm>>) target(%dma_start3A_930 : memref<2xi32, #tpu.memory_space<vmem>>) target_semaphore(%arg16 : memref<!tpu.dma_semaphore, #tpu.memory_space<semaphore_mem>>)
      %dma_wait3A_933 = arith.constant 0 : i32
      %dma_wait3A_934 = tpu.memref_slice %arg7[%dma_wait3A_933] : memref<32xi32, #tpu.memory_space<vmem>> -> memref<8xi32, #tpu.memory_space<vmem>>
      %dma_wait3A_935 = arith.constant 40 : i32
      %dma_wait3A_936 = tpu.memref_slice %arg4[%dma_wait3A_935] : memref<50xi32, #tpu.memory_space<hbm>> -> memref<8xi32, #tpu.memory_space<hbm>>
      %dma_wait3A_937 = arith.constant 0 : i32
      %dma_wait3A_938 = tpu.memref_slice %arg7[%dma_wait3A_937] : memref<32xi32, #tpu.memory_space<vmem>> -> memref<8xi32, #tpu.memory_space<vmem>>
      %dma_wait3A_939 = arith.constant 40 : i32
      %dma_wait3A_940 = tpu.memref_slice %arg4[%dma_wait3A_939] : memref<50xi32, #tpu.memory_space<hbm>> -> memref<8xi32, #tpu.memory_space<hbm>>
      tpu.wait_dma2 semaphore(%arg16 : memref<!tpu.dma_semaphore, #tpu.memory_space<semaphore_mem>>) src(%dma_wait3A_940 : memref<8xi32, #tpu.memory_space<hbm>>) dst(%dma_wait3A_938 : memref<8xi32, #tpu.memory_space<vmem>>)
      %dma_wait3A_941 = arith.constant 8 : i32
      %dma_wait3A_942 = tpu.memref_slice %arg7[%dma_wait3A_941] : memref<32xi32, #tpu.memory_space<vmem>> -> memref<2xi32, #tpu.memory_space<vmem>>
      %dma_wait3A_943 = arith.constant 48 : i32
      %dma_wait3A_944 = tpu.memref_slice %arg4[%dma_wait3A_943] : memref<50xi32, #tpu.memory_space<hbm>> -> memref<2xi32, #tpu.memory_space<hbm>>
      %dma_wait3A_945 = arith.constant 8 : i32
      %dma_wait3A_946 = tpu.memref_slice %arg7[%dma_wait3A_945] : memref<32xi32, #tpu.memory_space<vmem>> -> memref<2xi32, #tpu.memory_space<vmem>>
      %dma_wait3A_947 = arith.constant 48 : i32
      %dma_wait3A_948 = tpu.memref_slice %arg4[%dma_wait3A_947] : memref<50xi32, #tpu.memory_space<hbm>> -> memref<2xi32, #tpu.memory_space<hbm>>
      tpu.wait_dma2 semaphore(%arg16 : memref<!tpu.dma_semaphore, #tpu.memory_space<semaphore_mem>>) src(%dma_wait3A_948 : memref<2xi32, #tpu.memory_space<hbm>>) dst(%dma_wait3A_946 : memref<2xi32, #tpu.memory_space<vmem>>)
    } else {
    }
    %dma_wait3A = arith.constant 16 : i32
    %dma_wait3A_30 = tpu.memref_slice %arg7[%dma_wait3A] : memref<32xi32, #tpu.memory_space<vmem>> -> memref<1xi32, #tpu.memory_space<vmem>>
    %dma_wait3A_31 = arith.constant 16 : i32
    %dma_wait3A_32 = tpu.memref_slice %arg7[%dma_wait3A_31] : memref<32xi32, #tpu.memory_space<vmem>> -> memref<1xi32, #tpu.memory_space<vmem>>
    tpu.wait_dma2 semaphore(%arg15 : memref<!tpu.dma_semaphore, #tpu.memory_space<semaphore_mem>>) src(%arg5 : memref<1xi32, #tpu.memory_space<hbm>>) dst(%dma_wait3A_32 : memref<1xi32, #tpu.memory_space<vmem>>)
    %get3A = arith.constant 0 : index
    %get3A_33 = tpu.vector_load %arg7[%get3A] {strides = array<i32>} : memref<32xi32, #tpu.memory_space<vmem>>, vector<16xi32>,
    %get3A_34 = arith.constant 16 : index
    %get3A_35 = tpu.vector_load %arg7[%get3A_34] {strides = array<i32>} : memref<32xi32, #tpu.memory_space<vmem>>, vector<16xi32>,
    %slice3A = vector.extract_strided_slice %get3A_33 {offsets = [0], sizes = [1], strides = [1]} : vector<16xi32> to vector<1xi32>
    %squeeze3A = vector.extract %slice3A[0] : i32 from vector<1xi32>
    %dma_start3A_36 = arith.constant 0 : i32
    %dma_start3A_37 = arith.constant 0 : i32
    %dma_start3A_38 = tpu.memref_slice %arg8[%dma_start3A_36, %dma_start3A_37] : memref<16x32xf32, #tpu.memory_space<vmem>> -> memref<1x32xf32, #tpu.memory_space<vmem>>
    %dma_start3A_39 = tpu.memref_squeeze %dma_start3A_38 : memref<1x32xf32, #tpu.memory_space<vmem>> -> memref<32xf32, #tpu.memory_space<vmem>>
    %dma_start3A_40 = arith.constant 0 : i32
    %dma_start3A_41 = tpu.memref_slice %arg2[%squeeze3A, %dma_start3A_40] : memref<100000x32xf32, #tpu.memory_space<hbm>> -> memref<1x32xf32, #tpu.memory_space<hbm>>
    %dma_start3A_42 = tpu.memref_squeeze %dma_start3A_41 : memref<1x32xf32, #tpu.memory_space<hbm>> -> memref<32xf32, #tpu.memory_space<hbm>>
    %dma_start3A_43 = arith.constant 0 : i32
    %dma_start3A_44 = tpu.memref_slice %arg8[%dma_start3A_36, %dma_start3A_43] : memref<16x32xf32, #tpu.memory_space<vmem>> -> memref<1x32xf32, #tpu.memory_space<vmem>>
    %dma_start3A_45 = tpu.memref_squeeze %dma_start3A_44 : memref<1x32xf32, #tpu.memory_space<vmem>> -> memref<32xf32, #tpu.memory_space<vmem>>
    %dma_start3A_46 = arith.constant 0 : i32
    %dma_start3A_47 = tpu.memref_slice %arg2[%squeeze3A, %dma_start3A_46] : memref<100000x32xf32, #tpu.memory_space<hbm>> -> memref<1x32xf32, #tpu.memory_space<hbm>>
    %dma_start3A_48 = tpu.memref_squeeze %dma_start3A_47 : memref<1x32xf32, #tpu.memory_space<hbm>> -> memref<32xf32, #tpu.memory_space<hbm>>
    tpu.enqueue_dma source(%dma_start3A_48 : memref<32xf32, #tpu.memory_space<hbm>>) target(%dma_start3A_45 : memref<32xf32, #tpu.memory_space<vmem>>) target_semaphore(%arg14 : memref<!tpu.dma_semaphore, #tpu.memory_space<semaphore_mem>>)
    %slice3A_49 = vector.extract_strided_slice %get3A_33 {offsets = [1], sizes = [1], strides = [1]} : vector<16xi32> to vector<1xi32>
    %squeeze3A_50 = vector.extract %slice3A_49[0] : i32 from vector<1xi32>
    %dma_start3A_51 = arith.constant 1 : i32
    %dma_start3A_52 = arith.constant 0 : i32
    %dma_start3A_53 = tpu.memref_slice %arg8[%dma_start3A_51, %dma_start3A_52] : memref<16x32xf32, #tpu.memory_space<vmem>> -> memref<1x32xf32, #tpu.memory_space<vmem>>
    %dma_start3A_54 = tpu.memref_squeeze %dma_start3A_53 : memref<1x32xf32, #tpu.memory_space<vmem>> -> memref<32xf32, #tpu.memory_space<vmem>>
    %dma_start3A_55 = arith.constant 0 : i32
    %dma_start3A_56 = tpu.memref_slice %arg2[%squeeze3A_50, %dma_start3A_55] : memref<100000x32xf32, #tpu.memory_space<hbm>> -> memref<1x32xf32, #tpu.memory_space<hbm>>
    %dma_start3A_57 = tpu.memref_squeeze %dma_start3A_56 : memref<1x32xf32, #tpu.memory_space<hbm>> -> memref<32xf32, #tpu.memory_space<hbm>>
    %dma_start3A_58 = arith.constant 0 : i32
    %dma_start3A_59 = tpu.memref_slice %arg8[%dma_start3A_51, %dma_start3A_58] : memref<16x32xf32, #tpu.memory_space<vmem>> -> memref<1x32xf32, #tpu.memory_space<vmem>>
    %dma_start3A_60 = tpu.memref_squeeze %dma_start3A_59 : memref<1x32xf32, #tpu.memory_space<vmem>> -> memref<32xf32, #tpu.memory_space<vmem>>
    %dma_start3A_61 = arith.constant 0 : i32
    %dma_start3A_62 = tpu.memref_slice %arg2[%squeeze3A_50, %dma_start3A_61] : memref<100000x32xf32, #tpu.memory_space<hbm>> -> memref<1x32xf32, #tpu.memory_space<hbm>>
    %dma_start3A_63 = tpu.memref_squeeze %dma_start3A_62 : memref<1x32xf32, #tpu.memory_space<hbm>> -> memref<32xf32, #tpu.memory_space<hbm>>
    tpu.enqueue_dma source(%dma_start3A_63 : memref<32xf32, #tpu.memory_space<hbm>>) target(%dma_start3A_60 : memref<32xf32, #tpu.memory_space<vmem>>) target_semaphore(%arg14 : memref<!tpu.dma_semaphore, #tpu.memory_space<semaphore_mem>>)
    %slice3A_64 = vector.extract_strided_slice %get3A_33 {offsets = [2], sizes = [1], strides = [1]} : vector<16xi32> to vector<1xi32>
    %squeeze3A_65 = vector.extract %slice3A_64[0] : i32 from vector<1xi32>
    %dma_start3A_66 = arith.constant 2 : i32
    %dma_start3A_67 = arith.constant 0 : i32
    %dma_start3A_68 = tpu.memref_slice %arg8[%dma_start3A_66, %dma_start3A_67] : memref<16x32xf32, #tpu.memory_space<vmem>> -> memref<1x32xf32, #tpu.memory_space<vmem>>
    %dma_start3A_69 = tpu.memref_squeeze %dma_start3A_68 : memref<1x32xf32, #tpu.memory_space<vmem>> -> memref<32xf32, #tpu.memory_space<vmem>>
    %dma_start3A_70 = arith.constant 0 : i32
    %dma_start3A_71 = tpu.memref_slice %arg2[%squeeze3A_65, %dma_start3A_70] : memref<100000x32xf32, #tpu.memory_space<hbm>> -> memref<1x32xf32, #tpu.memory_space<hbm>>
    %dma_start3A_72 = tpu.memref_squeeze %dma_start3A_71 : memref<1x32xf32, #tpu.memory_space<hbm>> -> memref<32xf32, #tpu.memory_space<hbm>>
    %dma_start3A_73 = arith.constant 0 : i32
    %dma_start3A_74 = tpu.memref_slice %arg8[%dma_start3A_66, %dma_start3A_73] : memref<16x32xf32, #tpu.memory_space<vmem>> -> memref<1x32xf32, #tpu.memory_space<vmem>>
    %dma_start3A_75 = tpu.memref_squeeze %dma_start3A_74 : memref<1x32xf32, #tpu.memory_space<vmem>> -> memref<32xf32, #tpu.memory_space<vmem>>
    %dma_start3A_76 = arith.constant 0 : i32
    %dma_start3A_77 = tpu.memref_slice %arg2[%squeeze3A_65, %dma_start3A_76] : memref<100000x32xf32, #tpu.memory_space<hbm>> -> memref<1x32xf32, #tpu.memory_space<hbm>>
    %dma_start3A_78 = tpu.memref_squeeze %dma_start3A_77 : memref<1x32xf32, #tpu.memory_space<hbm>> -> memref<32xf32, #tpu.memory_space<hbm>>
    tpu.enqueue_dma source(%dma_start3A_78 : memref<32xf32, #tpu.memory_space<hbm>>) target(%dma_start3A_75 : memref<32xf32, #tpu.memory_space<vmem>>) target_semaphore(%arg14 : memref<!tpu.dma_semaphore, #tpu.memory_space<semaphore_mem>>)
    %slice3A_79 = vector.extract_strided_slice %get3A_33 {offsets = [3], sizes = [1], strides = [1]} : vector<16xi32> to vector<1xi32>
    %squeeze3A_80 = vector.extract %slice3A_79[0] : i32 from vector<1xi32>
    %dma_start3A_81 = arith.constant 3 : i32
    %dma_start3A_82 = arith.constant 0 : i32
    %dma_start3A_83 = tpu.memref_slice %arg8[%dma_start3A_81, %dma_start3A_82] : memref<16x32xf32, #tpu.memory_space<vmem>> -> memref<1x32xf32, #tpu.memory_space<vmem>>
    %dma_start3A_84 = tpu.memref_squeeze %dma_start3A_83 : memref<1x32xf32, #tpu.memory_space<vmem>> -> memref<32xf32, #tpu.memory_space<vmem>>
    %dma_start3A_85 = arith.constant 0 : i32
    %dma_start3A_86 = tpu.memref_slice %arg2[%squeeze3A_80, %dma_start3A_85] : memref<100000x32xf32, #tpu.memory_space<hbm>> -> memref<1x32xf32, #tpu.memory_space<hbm>>
    %dma_start3A_87 = tpu.memref_squeeze %dma_start3A_86 : memref<1x32xf32, #tpu.memory_space<hbm>> -> memref<32xf32, #tpu.memory_space<hbm>>
    %dma_start3A_88 = arith.constant 0 : i32
    %dma_start3A_89 = tpu.memref_slice %arg8[%dma_start3A_81, %dma_start3A_88] : memref<16x32xf32, #tpu.memory_space<vmem>> -> memref<1x32xf32, #tpu.memory_space<vmem>>
    %dma_start3A_90 = tpu.memref_squeeze %dma_start3A_89 : memref<1x32xf32, #tpu.memory_space<vmem>> -> memref<32xf32, #tpu.memory_space<vmem>>
    %dma_start3A_91 = arith.constant 0 : i32
    %dma_start3A_92 = tpu.memref_slice %arg2[%squeeze3A_80, %dma_start3A_91] : memref<100000x32xf32, #tpu.memory_space<hbm>> -> memref<1x32xf32, #tpu.memory_space<hbm>>
    %dma_start3A_93 = tpu.memref_squeeze %dma_start3A_92 : memref<1x32xf32, #tpu.memory_space<hbm>> -> memref<32xf32, #tpu.memory_space<hbm>>
    tpu.enqueue_dma source(%dma_start3A_93 : memref<32xf32, #tpu.memory_space<hbm>>) target(%dma_start3A_90 : memref<32xf32, #tpu.memory_space<vmem>>) target_semaphore(%arg14 : memref<!tpu.dma_semaphore, #tpu.memory_space<semaphore_mem>>)
    %slice3A_94 = vector.extract_strided_slice %get3A_33 {offsets = [4], sizes = [1], strides = [1]} : vector<16xi32> to vector<1xi32>
    %squeeze3A_95 = vector.extract %slice3A_94[0] : i32 from vector<1xi32>
    %dma_start3A_96 = arith.constant 4 : i32
    %dma_start3A_97 = arith.constant 0 : i32
    %dma_start3A_98 = tpu.memref_slice %arg8[%dma_start3A_96, %dma_start3A_97] : memref<16x32xf32, #tpu.memory_space<vmem>> -> memref<1x32xf32, #tpu.memory_space<vmem>>
    %dma_start3A_99 = tpu.memref_squeeze %dma_start3A_98 : memref<1x32xf32, #tpu.memory_space<vmem>> -> memref<32xf32, #tpu.memory_space<vmem>>
    %dma_start3A_100 = arith.constant 0 : i32
    %dma_start3A_101 = tpu.memref_slice %arg2[%squeeze3A_95, %dma_start3A_100] : memref<100000x32xf32, #tpu.memory_space<hbm>> -> memref<1x32xf32, #tpu.memory_space<hbm>>
    %dma_start3A_102 = tpu.memref_squeeze %dma_start3A_101 : memref<1x32xf32, #tpu.memory_space<hbm>> -> memref<32xf32, #tpu.memory_space<hbm>>
    %dma_start3A_103 = arith.constant 0 : i32
    %dma_start3A_104 = tpu.memref_slice %arg8[%dma_start3A_96, %dma_start3A_103] : memref<16x32xf32, #tpu.memory_space<vmem>> -> memref<1x32xf32, #tpu.memory_space<vmem>>
    %dma_start3A_105 = tpu.memref_squeeze %dma_start3A_104 : memref<1x32xf32, #tpu.memory_space<vmem>> -> memref<32xf32, #tpu.memory_space<vmem>>
    %dma_start3A_106 = arith.constant 0 : i32
    %dma_start3A_107 = tpu.memref_slice %arg2[%squeeze3A_95, %dma_start3A_106] : memref<100000x32xf32, #tpu.memory_space<hbm>> -> memref<1x32xf32, #tpu.memory_space<hbm>>
    %dma_start3A_108 = tpu.memref_squeeze %dma_start3A_107 : memref<1x32xf32, #tpu.memory_space<hbm>> -> memref<32xf32, #tpu.memory_space<hbm>>
    tpu.enqueue_dma source(%dma_start3A_108 : memref<32xf32, #tpu.memory_space<hbm>>) target(%dma_start3A_105 : memref<32xf32, #tpu.memory_space<vmem>>) target_semaphore(%arg14 : memref<!tpu.dma_semaphore, #tpu.memory_space<semaphore_mem>>)
    %slice3A_109 = vector.extract_strided_slice %get3A_33 {offsets = [5], sizes = [1], strides = [1]} : vector<16xi32> to vector<1xi32>
    %squeeze3A_110 = vector.extract %slice3A_109[0] : i32 from vector<1xi32>
    %dma_start3A_111 = arith.constant 5 : i32
    %dma_start3A_112 = arith.constant 0 : i32
    %dma_start3A_113 = tpu.memref_slice %arg8[%dma_start3A_111, %dma_start3A_112] : memref<16x32xf32, #tpu.memory_space<vmem>> -> memref<1x32xf32, #tpu.memory_space<vmem>>
    %dma_start3A_114 = tpu.memref_squeeze %dma_start3A_113 : memref<1x32xf32, #tpu.memory_space<vmem>> -> memref<32xf32, #tpu.memory_space<vmem>>
    %dma_start3A_115 = arith.constant 0 : i32
    %dma_start3A_116 = tpu.memref_slice %arg2[%squeeze3A_110, %dma_start3A_115] : memref<100000x32xf32, #tpu.memory_space<hbm>> -> memref<1x32xf32, #tpu.memory_space<hbm>>
    %dma_start3A_117 = tpu.memref_squeeze %dma_start3A_116 : memref<1x32xf32, #tpu.memory_space<hbm>> -> memref<32xf32, #tpu.memory_space<hbm>>
    %dma_start3A_118 = arith.constant 0 : i32
    %dma_start3A_119 = tpu.memref_slice %arg8[%dma_start3A_111, %dma_start3A_118] : memref<16x32xf32, #tpu.memory_space<vmem>> -> memref<1x32xf32, #tpu.memory_space<vmem>>
    %dma_start3A_120 = tpu.memref_squeeze %dma_start3A_119 : memref<1x32xf32, #tpu.memory_space<vmem>> -> memref<32xf32, #tpu.memory_space<vmem>>
    %dma_start3A_121 = arith.constant 0 : i32
    %dma_start3A_122 = tpu.memref_slice %arg2[%squeeze3A_110, %dma_start3A_121] : memref<100000x32xf32, #tpu.memory_space<hbm>> -> memref<1x32xf32, #tpu.memory_space<hbm>>
    %dma_start3A_123 = tpu.memref_squeeze %dma_start3A_122 : memref<1x32xf32, #tpu.memory_space<hbm>> -> memref<32xf32, #tpu.memory_space<hbm>>
    tpu.enqueue_dma source(%dma_start3A_123 : memref<32xf32, #tpu.memory_space<hbm>>) target(%dma_start3A_120 : memref<32xf32, #tpu.memory_space<vmem>>) target_semaphore(%arg14 : memref<!tpu.dma_semaphore, #tpu.memory_space<semaphore_mem>>)
    %slice3A_124 = vector.extract_strided_slice %get3A_33 {offsets = [6], sizes = [1], strides = [1]} : vector<16xi32> to vector<1xi32>
    %squeeze3A_125 = vector.extract %slice3A_124[0] : i32 from vector<1xi32>
    %dma_start3A_126 = arith.constant 6 : i32
    %dma_start3A_127 = arith.constant 0 : i32
    %dma_start3A_128 = tpu.memref_slice %arg8[%dma_start3A_126, %dma_start3A_127] : memref<16x32xf32, #tpu.memory_space<vmem>> -> memref<1x32xf32, #tpu.memory_space<vmem>>
    %dma_start3A_129 = tpu.memref_squeeze %dma_start3A_128 : memref<1x32xf32, #tpu.memory_space<vmem>> -> memref<32xf32, #tpu.memory_space<vmem>>
    %dma_start3A_130 = arith.constant 0 : i32
    %dma_start3A_131 = tpu.memref_slice %arg2[%squeeze3A_125, %dma_start3A_130] : memref<100000x32xf32, #tpu.memory_space<hbm>> -> memref<1x32xf32, #tpu.memory_space<hbm>>
    %dma_start3A_132 = tpu.memref_squeeze %dma_start3A_131 : memref<1x32xf32, #tpu.memory_space<hbm>> -> memref<32xf32, #tpu.memory_space<hbm>>
    %dma_start3A_133 = arith.constant 0 : i32
    %dma_start3A_134 = tpu.memref_slice %arg8[%dma_start3A_126, %dma_start3A_133] : memref<16x32xf32, #tpu.memory_space<vmem>> -> memref<1x32xf32, #tpu.memory_space<vmem>>
    %dma_start3A_135 = tpu.memref_squeeze %dma_start3A_134 : memref<1x32xf32, #tpu.memory_space<vmem>> -> memref<32xf32, #tpu.memory_space<vmem>>
    %dma_start3A_136 = arith.constant 0 : i32
    %dma_start3A_137 = tpu.memref_slice %arg2[%squeeze3A_125, %dma_start3A_136] : memref<100000x32xf32, #tpu.memory_space<hbm>> -> memref<1x32xf32, #tpu.memory_space<hbm>>
    %dma_start3A_138 = tpu.memref_squeeze %dma_start3A_137 : memref<1x32xf32, #tpu.memory_space<hbm>> -> memref<32xf32, #tpu.memory_space<hbm>>
    tpu.enqueue_dma source(%dma_start3A_138 : memref<32xf32, #tpu.memory_space<hbm>>) target(%dma_start3A_135 : memref<32xf32, #tpu.memory_space<vmem>>) target_semaphore(%arg14 : memref<!tpu.dma_semaphore, #tpu.memory_space<semaphore_mem>>)
    %slice3A_139 = vector.extract_strided_slice %get3A_33 {offsets = [7], sizes = [1], strides = [1]} : vector<16xi32> to vector<1xi32>
    %squeeze3A_140 = vector.extract %slice3A_139[0] : i32 from vector<1xi32>
    %dma_start3A_141 = arith.constant 7 : i32
    %dma_start3A_142 = arith.constant 0 : i32
    %dma_start3A_143 = tpu.memref_slice %arg8[%dma_start3A_141, %dma_start3A_142] : memref<16x32xf32, #tpu.memory_space<vmem>> -> memref<1x32xf32, #tpu.memory_space<vmem>>
    %dma_start3A_144 = tpu.memref_squeeze %dma_start3A_143 : memref<1x32xf32, #tpu.memory_space<vmem>> -> memref<32xf32, #tpu.memory_space<vmem>>
    %dma_start3A_145 = arith.constant 0 : i32
    %dma_start3A_146 = tpu.memref_slice %arg2[%squeeze3A_140, %dma_start3A_145] : memref<100000x32xf32, #tpu.memory_space<hbm>> -> memref<1x32xf32, #tpu.memory_space<hbm>>
    %dma_start3A_147 = tpu.memref_squeeze %dma_start3A_146 : memref<1x32xf32, #tpu.memory_space<hbm>> -> memref<32xf32, #tpu.memory_space<hbm>>
    %dma_start3A_148 = arith.constant 0 : i32
    %dma_start3A_149 = tpu.memref_slice %arg8[%dma_start3A_141, %dma_start3A_148] : memref<16x32xf32, #tpu.memory_space<vmem>> -> memref<1x32xf32, #tpu.memory_space<vmem>>
    %dma_start3A_150 = tpu.memref_squeeze %dma_start3A_149 : memref<1x32xf32, #tpu.memory_space<vmem>> -> memref<32xf32, #tpu.memory_space<vmem>>
    %dma_start3A_151 = arith.constant 0 : i32
    %dma_start3A_152 = tpu.memref_slice %arg2[%squeeze3A_140, %dma_start3A_151] : memref<100000x32xf32, #tpu.memory_space<hbm>> -> memref<1x32xf32, #tpu.memory_space<hbm>>
    %dma_start3A_153 = tpu.memref_squeeze %dma_start3A_152 : memref<1x32xf32, #tpu.memory_space<hbm>> -> memref<32xf32, #tpu.memory_space<hbm>>
    tpu.enqueue_dma source(%dma_start3A_153 : memref<32xf32, #tpu.memory_space<hbm>>) target(%dma_start3A_150 : memref<32xf32, #tpu.memory_space<vmem>>) target_semaphore(%arg14 : memref<!tpu.dma_semaphore, #tpu.memory_space<semaphore_mem>>)
    %slice3A_154 = vector.extract_strided_slice %get3A_33 {offsets = [8], sizes = [1], strides = [1]} : vector<16xi32> to vector<1xi32>
    %squeeze3A_155 = vector.extract %slice3A_154[0] : i32 from vector<1xi32>
    %dma_start3A_156 = arith.constant 8 : i32
    %dma_start3A_157 = arith.constant 0 : i32
    %dma_start3A_158 = tpu.memref_slice %arg8[%dma_start3A_156, %dma_start3A_157] : memref<16x32xf32, #tpu.memory_space<vmem>> -> memref<1x32xf32, #tpu.memory_space<vmem>>
    %dma_start3A_159 = tpu.memref_squeeze %dma_start3A_158 : memref<1x32xf32, #tpu.memory_space<vmem>> -> memref<32xf32, #tpu.memory_space<vmem>>
    %dma_start3A_160 = arith.constant 0 : i32
    %dma_start3A_161 = tpu.memref_slice %arg2[%squeeze3A_155, %dma_start3A_160] : memref<100000x32xf32, #tpu.memory_space<hbm>> -> memref<1x32xf32, #tpu.memory_space<hbm>>
    %dma_start3A_162 = tpu.memref_squeeze %dma_start3A_161 : memref<1x32xf32, #tpu.memory_space<hbm>> -> memref<32xf32, #tpu.memory_space<hbm>>
    %dma_start3A_163 = arith.constant 0 : i32
    %dma_start3A_164 = tpu.memref_slice %arg8[%dma_start3A_156, %dma_start3A_163] : memref<16x32xf32, #tpu.memory_space<vmem>> -> memref<1x32xf32, #tpu.memory_space<vmem>>
    %dma_start3A_165 = tpu.memref_squeeze %dma_start3A_164 : memref<1x32xf32, #tpu.memory_space<vmem>> -> memref<32xf32, #tpu.memory_space<vmem>>
    %dma_start3A_166 = arith.constant 0 : i32
    %dma_start3A_167 = tpu.memref_slice %arg2[%squeeze3A_155, %dma_start3A_166] : memref<100000x32xf32, #tpu.memory_space<hbm>> -> memref<1x32xf32, #tpu.memory_space<hbm>>
    %dma_start3A_168 = tpu.memref_squeeze %dma_start3A_167 : memref<1x32xf32, #tpu.memory_space<hbm>> -> memref<32xf32, #tpu.memory_space<hbm>>
    tpu.enqueue_dma source(%dma_start3A_168 : memref<32xf32, #tpu.memory_space<hbm>>) target(%dma_start3A_165 : memref<32xf32, #tpu.memory_space<vmem>>) target_semaphore(%arg14 : memref<!tpu.dma_semaphore, #tpu.memory_space<semaphore_mem>>)
    %slice3A_169 = vector.extract_strided_slice %get3A_33 {offsets = [9], sizes = [1], strides = [1]} : vector<16xi32> to vector<1xi32>
    %squeeze3A_170 = vector.extract %slice3A_169[0] : i32 from vector<1xi32>
    %dma_start3A_171 = arith.constant 9 : i32
    %dma_start3A_172 = arith.constant 0 : i32
    %dma_start3A_173 = tpu.memref_slice %arg8[%dma_start3A_171, %dma_start3A_172] : memref<16x32xf32, #tpu.memory_space<vmem>> -> memref<1x32xf32, #tpu.memory_space<vmem>>
    %dma_start3A_174 = tpu.memref_squeeze %dma_start3A_173 : memref<1x32xf32, #tpu.memory_space<vmem>> -> memref<32xf32, #tpu.memory_space<vmem>>
    %dma_start3A_175 = arith.constant 0 : i32
    %dma_start3A_176 = tpu.memref_slice %arg2[%squeeze3A_170, %dma_start3A_175] : memref<100000x32xf32, #tpu.memory_space<hbm>> -> memref<1x32xf32, #tpu.memory_space<hbm>>
    %dma_start3A_177 = tpu.memref_squeeze %dma_start3A_176 : memref<1x32xf32, #tpu.memory_space<hbm>> -> memref<32xf32, #tpu.memory_space<hbm>>
    %dma_start3A_178 = arith.constant 0 : i32
    %dma_start3A_179 = tpu.memref_slice %arg8[%dma_start3A_171, %dma_start3A_178] : memref<16x32xf32, #tpu.memory_space<vmem>> -> memref<1x32xf32, #tpu.memory_space<vmem>>
    %dma_start3A_180 = tpu.memref_squeeze %dma_start3A_179 : memref<1x32xf32, #tpu.memory_space<vmem>> -> memref<32xf32, #tpu.memory_space<vmem>>
    %dma_start3A_181 = arith.constant 0 : i32
    %dma_start3A_182 = tpu.memref_slice %arg2[%squeeze3A_170, %dma_start3A_181] : memref<100000x32xf32, #tpu.memory_space<hbm>> -> memref<1x32xf32, #tpu.memory_space<hbm>>
    %dma_start3A_183 = tpu.memref_squeeze %dma_start3A_182 : memref<1x32xf32, #tpu.memory_space<hbm>> -> memref<32xf32, #tpu.memory_space<hbm>>
    tpu.enqueue_dma source(%dma_start3A_183 : memref<32xf32, #tpu.memory_space<hbm>>) target(%dma_start3A_180 : memref<32xf32, #tpu.memory_space<vmem>>) target_semaphore(%arg14 : memref<!tpu.dma_semaphore, #tpu.memory_space<semaphore_mem>>)
    %slice3A_184 = vector.extract_strided_slice %get3A_33 {offsets = [10], sizes = [1], strides = [1]} : vector<16xi32> to vector<1xi32>
    %squeeze3A_185 = vector.extract %slice3A_184[0] : i32 from vector<1xi32>
    %dma_start3A_186 = arith.constant 10 : i32
    %dma_start3A_187 = arith.constant 0 : i32
    %dma_start3A_188 = tpu.memref_slice %arg8[%dma_start3A_186, %dma_start3A_187] : memref<16x32xf32, #tpu.memory_space<vmem>> -> memref<1x32xf32, #tpu.memory_space<vmem>>
    %dma_start3A_189 = tpu.memref_squeeze %dma_start3A_188 : memref<1x32xf32, #tpu.memory_space<vmem>> -> memref<32xf32, #tpu.memory_space<vmem>>
    %dma_start3A_190 = arith.constant 0 : i32
    %dma_start3A_191 = tpu.memref_slice %arg2[%squeeze3A_185, %dma_start3A_190] : memref<100000x32xf32, #tpu.memory_space<hbm>> -> memref<1x32xf32, #tpu.memory_space<hbm>>
    %dma_start3A_192 = tpu.memref_squeeze %dma_start3A_191 : memref<1x32xf32, #tpu.memory_space<hbm>> -> memref<32xf32, #tpu.memory_space<hbm>>
    %dma_start3A_193 = arith.constant 0 : i32
    %dma_start3A_194 = tpu.memref_slice %arg8[%dma_start3A_186, %dma_start3A_193] : memref<16x32xf32, #tpu.memory_space<vmem>> -> memref<1x32xf32, #tpu.memory_space<vmem>>
    %dma_start3A_195 = tpu.memref_squeeze %dma_start3A_194 : memref<1x32xf32, #tpu.memory_space<vmem>> -> memref<32xf32, #tpu.memory_space<vmem>>
    %dma_start3A_196 = arith.constant 0 : i32
    %dma_start3A_197 = tpu.memref_slice %arg2[%squeeze3A_185, %dma_start3A_196] : memref<100000x32xf32, #tpu.memory_space<hbm>> -> memref<1x32xf32, #tpu.memory_space<hbm>>
    %dma_start3A_198 = tpu.memref_squeeze %dma_start3A_197 : memref<1x32xf32, #tpu.memory_space<hbm>> -> memref<32xf32, #tpu.memory_space<hbm>>
    tpu.enqueue_dma source(%dma_start3A_198 : memref<32xf32, #tpu.memory_space<hbm>>) target(%dma_start3A_195 : memref<32xf32, #tpu.memory_space<vmem>>) target_semaphore(%arg14 : memref<!tpu.dma_semaphore, #tpu.memory_space<semaphore_mem>>)
    %slice3A_199 = vector.extract_strided_slice %get3A_33 {offsets = [11], sizes = [1], strides = [1]} : vector<16xi32> to vector<1xi32>
    %squeeze3A_200 = vector.extract %slice3A_199[0] : i32 from vector<1xi32>
    %dma_start3A_201 = arith.constant 11 : i32
    %dma_start3A_202 = arith.constant 0 : i32
    %dma_start3A_203 = tpu.memref_slice %arg8[%dma_start3A_201, %dma_start3A_202] : memref<16x32xf32, #tpu.memory_space<vmem>> -> memref<1x32xf32, #tpu.memory_space<vmem>>
    %dma_start3A_204 = tpu.memref_squeeze %dma_start3A_203 : memref<1x32xf32, #tpu.memory_space<vmem>> -> memref<32xf32, #tpu.memory_space<vmem>>
    %dma_start3A_205 = arith.constant 0 : i32
    %dma_start3A_206 = tpu.memref_slice %arg2[%squeeze3A_200, %dma_start3A_205] : memref<100000x32xf32, #tpu.memory_space<hbm>> -> memref<1x32xf32, #tpu.memory_space<hbm>>
    %dma_start3A_207 = tpu.memref_squeeze %dma_start3A_206 : memref<1x32xf32, #tpu.memory_space<hbm>> -> memref<32xf32, #tpu.memory_space<hbm>>
    %dma_start3A_208 = arith.constant 0 : i32
    %dma_start3A_209 = tpu.memref_slice %arg8[%dma_start3A_201, %dma_start3A_208] : memref<16x32xf32, #tpu.memory_space<vmem>> -> memref<1x32xf32, #tpu.memory_space<vmem>>
    %dma_start3A_210 = tpu.memref_squeeze %dma_start3A_209 : memref<1x32xf32, #tpu.memory_space<vmem>> -> memref<32xf32, #tpu.memory_space<vmem>>
    %dma_start3A_211 = arith.constant 0 : i32
    %dma_start3A_212 = tpu.memref_slice %arg2[%squeeze3A_200, %dma_start3A_211] : memref<100000x32xf32, #tpu.memory_space<hbm>> -> memref<1x32xf32, #tpu.memory_space<hbm>>
    %dma_start3A_213 = tpu.memref_squeeze %dma_start3A_212 : memref<1x32xf32, #tpu.memory_space<hbm>> -> memref<32xf32, #tpu.memory_space<hbm>>
    tpu.enqueue_dma source(%dma_start3A_213 : memref<32xf32, #tpu.memory_space<hbm>>) target(%dma_start3A_210 : memref<32xf32, #tpu.memory_space<vmem>>) target_semaphore(%arg14 : memref<!tpu.dma_semaphore, #tpu.memory_space<semaphore_mem>>)
    %slice3A_214 = vector.extract_strided_slice %get3A_33 {offsets = [12], sizes = [1], strides = [1]} : vector<16xi32> to vector<1xi32>
    %squeeze3A_215 = vector.extract %slice3A_214[0] : i32 from vector<1xi32>
    %dma_start3A_216 = arith.constant 12 : i32
    %dma_start3A_217 = arith.constant 0 : i32
    %dma_start3A_218 = tpu.memref_slice %arg8[%dma_start3A_216, %dma_start3A_217] : memref<16x32xf32, #tpu.memory_space<vmem>> -> memref<1x32xf32, #tpu.memory_space<vmem>>
    %dma_start3A_219 = tpu.memref_squeeze %dma_start3A_218 : memref<1x32xf32, #tpu.memory_space<vmem>> -> memref<32xf32, #tpu.memory_space<vmem>>
    %dma_start3A_220 = arith.constant 0 : i32
    %dma_start3A_221 = tpu.memref_slice %arg2[%squeeze3A_215, %dma_start3A_220] : memref<100000x32xf32, #tpu.memory_space<hbm>> -> memref<1x32xf32, #tpu.memory_space<hbm>>
    %dma_start3A_222 = tpu.memref_squeeze %dma_start3A_221 : memref<1x32xf32, #tpu.memory_space<hbm>> -> memref<32xf32, #tpu.memory_space<hbm>>
    %dma_start3A_223 = arith.constant 0 : i32
    %dma_start3A_224 = tpu.memref_slice %arg8[%dma_start3A_216, %dma_start3A_223] : memref<16x32xf32, #tpu.memory_space<vmem>> -> memref<1x32xf32, #tpu.memory_space<vmem>>
    %dma_start3A_225 = tpu.memref_squeeze %dma_start3A_224 : memref<1x32xf32, #tpu.memory_space<vmem>> -> memref<32xf32, #tpu.memory_space<vmem>>
    %dma_start3A_226 = arith.constant 0 : i32
    %dma_start3A_227 = tpu.memref_slice %arg2[%squeeze3A_215, %dma_start3A_226] : memref<100000x32xf32, #tpu.memory_space<hbm>> -> memref<1x32xf32, #tpu.memory_space<hbm>>
    %dma_start3A_228 = tpu.memref_squeeze %dma_start3A_227 : memref<1x32xf32, #tpu.memory_space<hbm>> -> memref<32xf32, #tpu.memory_space<hbm>>
    tpu.enqueue_dma source(%dma_start3A_228 : memref<32xf32, #tpu.memory_space<hbm>>) target(%dma_start3A_225 : memref<32xf32, #tpu.memory_space<vmem>>) target_semaphore(%arg14 : memref<!tpu.dma_semaphore, #tpu.memory_space<semaphore_mem>>)
    %slice3A_229 = vector.extract_strided_slice %get3A_33 {offsets = [13], sizes = [1], strides = [1]} : vector<16xi32> to vector<1xi32>
    %squeeze3A_230 = vector.extract %slice3A_229[0] : i32 from vector<1xi32>
    %dma_start3A_231 = arith.constant 13 : i32
    %dma_start3A_232 = arith.constant 0 : i32
    %dma_start3A_233 = tpu.memref_slice %arg8[%dma_start3A_231, %dma_start3A_232] : memref<16x32xf32, #tpu.memory_space<vmem>> -> memref<1x32xf32, #tpu.memory_space<vmem>>
    %dma_start3A_234 = tpu.memref_squeeze %dma_start3A_233 : memref<1x32xf32, #tpu.memory_space<vmem>> -> memref<32xf32, #tpu.memory_space<vmem>>
    %dma_start3A_235 = arith.constant 0 : i32
    %dma_start3A_236 = tpu.memref_slice %arg2[%squeeze3A_230, %dma_start3A_235] : memref<100000x32xf32, #tpu.memory_space<hbm>> -> memref<1x32xf32, #tpu.memory_space<hbm>>
    %dma_start3A_237 = tpu.memref_squeeze %dma_start3A_236 : memref<1x32xf32, #tpu.memory_space<hbm>> -> memref<32xf32, #tpu.memory_space<hbm>>
    %dma_start3A_238 = arith.constant 0 : i32
    %dma_start3A_239 = tpu.memref_slice %arg8[%dma_start3A_231, %dma_start3A_238] : memref<16x32xf32, #tpu.memory_space<vmem>> -> memref<1x32xf32, #tpu.memory_space<vmem>>
    %dma_start3A_240 = tpu.memref_squeeze %dma_start3A_239 : memref<1x32xf32, #tpu.memory_space<vmem>> -> memref<32xf32, #tpu.memory_space<vmem>>
    %dma_start3A_241 = arith.constant 0 : i32
    %dma_start3A_242 = tpu.memref_slice %arg2[%squeeze3A_230, %dma_start3A_241] : memref<100000x32xf32, #tpu.memory_space<hbm>> -> memref<1x32xf32, #tpu.memory_space<hbm>>
    %dma_start3A_243 = tpu.memref_squeeze %dma_start3A_242 : memref<1x32xf32, #tpu.memory_space<hbm>> -> memref<32xf32, #tpu.memory_space<hbm>>
    tpu.enqueue_dma source(%dma_start3A_243 : memref<32xf32, #tpu.memory_space<hbm>>) target(%dma_start3A_240 : memref<32xf32, #tpu.memory_space<vmem>>) target_semaphore(%arg14 : memref<!tpu.dma_semaphore, #tpu.memory_space<semaphore_mem>>)
    %slice3A_244 = vector.extract_strided_slice %get3A_33 {offsets = [14], sizes = [1], strides = [1]} : vector<16xi32> to vector<1xi32>
    %squeeze3A_245 = vector.extract %slice3A_244[0] : i32 from vector<1xi32>
    %dma_start3A_246 = arith.constant 14 : i32
    %dma_start3A_247 = arith.constant 0 : i32
    %dma_start3A_248 = tpu.memref_slice %arg8[%dma_start3A_246, %dma_start3A_247] : memref<16x32xf32, #tpu.memory_space<vmem>> -> memref<1x32xf32, #tpu.memory_space<vmem>>
    %dma_start3A_249 = tpu.memref_squeeze %dma_start3A_248 : memref<1x32xf32, #tpu.memory_space<vmem>> -> memref<32xf32, #tpu.memory_space<vmem>>
    %dma_start3A_250 = arith.constant 0 : i32
    %dma_start3A_251 = tpu.memref_slice %arg2[%squeeze3A_245, %dma_start3A_250] : memref<100000x32xf32, #tpu.memory_space<hbm>> -> memref<1x32xf32, #tpu.memory_space<hbm>>
    %dma_start3A_252 = tpu.memref_squeeze %dma_start3A_251 : memref<1x32xf32, #tpu.memory_space<hbm>> -> memref<32xf32, #tpu.memory_space<hbm>>
    %dma_start3A_253 = arith.constant 0 : i32
    %dma_start3A_254 = tpu.memref_slice %arg8[%dma_start3A_246, %dma_start3A_253] : memref<16x32xf32, #tpu.memory_space<vmem>> -> memref<1x32xf32, #tpu.memory_space<vmem>>
    %dma_start3A_255 = tpu.memref_squeeze %dma_start3A_254 : memref<1x32xf32, #tpu.memory_space<vmem>> -> memref<32xf32, #tpu.memory_space<vmem>>
    %dma_start3A_256 = arith.constant 0 : i32
    %dma_start3A_257 = tpu.memref_slice %arg2[%squeeze3A_245, %dma_start3A_256] : memref<100000x32xf32, #tpu.memory_space<hbm>> -> memref<1x32xf32, #tpu.memory_space<hbm>>
    %dma_start3A_258 = tpu.memref_squeeze %dma_start3A_257 : memref<1x32xf32, #tpu.memory_space<hbm>> -> memref<32xf32, #tpu.memory_space<hbm>>
    tpu.enqueue_dma source(%dma_start3A_258 : memref<32xf32, #tpu.memory_space<hbm>>) target(%dma_start3A_255 : memref<32xf32, #tpu.memory_space<vmem>>) target_semaphore(%arg14 : memref<!tpu.dma_semaphore, #tpu.memory_space<semaphore_mem>>)
    %slice3A_259 = vector.extract_strided_slice %get3A_33 {offsets = [15], sizes = [1], strides = [1]} : vector<16xi32> to vector<1xi32>
    %squeeze3A_260 = vector.extract %slice3A_259[0] : i32 from vector<1xi32>
    %dma_start3A_261 = arith.constant 15 : i32
    %dma_start3A_262 = arith.constant 0 : i32
    %dma_start3A_263 = tpu.memref_slice %arg8[%dma_start3A_261, %dma_start3A_262] : memref<16x32xf32, #tpu.memory_space<vmem>> -> memref<1x32xf32, #tpu.memory_space<vmem>>
    %dma_start3A_264 = tpu.memref_squeeze %dma_start3A_263 : memref<1x32xf32, #tpu.memory_space<vmem>> -> memref<32xf32, #tpu.memory_space<vmem>>
    %dma_start3A_265 = arith.constant 0 : i32
    %dma_start3A_266 = tpu.memref_slice %arg2[%squeeze3A_260, %dma_start3A_265] : memref<100000x32xf32, #tpu.memory_space<hbm>> -> memref<1x32xf32, #tpu.memory_space<hbm>>
    %dma_start3A_267 = tpu.memref_squeeze %dma_start3A_266 : memref<1x32xf32, #tpu.memory_space<hbm>> -> memref<32xf32, #tpu.memory_space<hbm>>
    %dma_start3A_268 = arith.constant 0 : i32
    %dma_start3A_269 = tpu.memref_slice %arg8[%dma_start3A_261, %dma_start3A_268] : memref<16x32xf32, #tpu.memory_space<vmem>> -> memref<1x32xf32, #tpu.memory_space<vmem>>
    %dma_start3A_270 = tpu.memref_squeeze %dma_start3A_269 : memref<1x32xf32, #tpu.memory_space<vmem>> -> memref<32xf32, #tpu.memory_space<vmem>>
    %dma_start3A_271 = arith.constant 0 : i32
    %dma_start3A_272 = tpu.memref_slice %arg2[%squeeze3A_260, %dma_start3A_271] : memref<100000x32xf32, #tpu.memory_space<hbm>> -> memref<1x32xf32, #tpu.memory_space<hbm>>
    %dma_start3A_273 = tpu.memref_squeeze %dma_start3A_272 : memref<1x32xf32, #tpu.memory_space<hbm>> -> memref<32xf32, #tpu.memory_space<hbm>>
    tpu.enqueue_dma source(%dma_start3A_273 : memref<32xf32, #tpu.memory_space<hbm>>) target(%dma_start3A_270 : memref<32xf32, #tpu.memory_space<vmem>>) target_semaphore(%arg14 : memref<!tpu.dma_semaphore, #tpu.memory_space<semaphore_mem>>)
    %slice3A_274 = vector.extract_strided_slice %get3A_35 {offsets = [0], sizes = [1], strides = [1]} : vector<16xi32> to vector<1xi32>
    %squeeze3A_275 = vector.extract %slice3A_274[0] : i32 from vector<1xi32>
    %dma_start3A_276 = arith.constant 0 : i32
    %dma_start3A_277 = arith.constant 0 : i32
    %dma_start3A_278 = tpu.memref_slice %arg9[%dma_start3A_276, %dma_start3A_277] : memref<1x32xf32, #tpu.memory_space<vmem>> -> memref<1x32xf32, #tpu.memory_space<vmem>>
    %dma_start3A_279 = tpu.memref_squeeze %dma_start3A_278 : memref<1x32xf32, #tpu.memory_space<vmem>> -> memref<32xf32, #tpu.memory_space<vmem>>
    %dma_start3A_280 = arith.constant 0 : i32
    %dma_start3A_281 = tpu.memref_slice %arg2[%squeeze3A_275, %dma_start3A_280] : memref<100000x32xf32, #tpu.memory_space<hbm>> -> memref<1x32xf32, #tpu.memory_space<hbm>>
    %dma_start3A_282 = tpu.memref_squeeze %dma_start3A_281 : memref<1x32xf32, #tpu.memory_space<hbm>> -> memref<32xf32, #tpu.memory_space<hbm>>
    %dma_start3A_283 = arith.constant 0 : i32
    %dma_start3A_284 = tpu.memref_slice %arg9[%dma_start3A_276, %dma_start3A_283] : memref<1x32xf32, #tpu.memory_space<vmem>> -> memref<1x32xf32, #tpu.memory_space<vmem>>
    %dma_start3A_285 = tpu.memref_squeeze %dma_start3A_284 : memref<1x32xf32, #tpu.memory_space<vmem>> -> memref<32xf32, #tpu.memory_space<vmem>>
    %dma_start3A_286 = arith.constant 0 : i32
    %dma_start3A_287 = tpu.memref_slice %arg2[%squeeze3A_275, %dma_start3A_286] : memref<100000x32xf32, #tpu.memory_space<hbm>> -> memref<1x32xf32, #tpu.memory_space<hbm>>
    %dma_start3A_288 = tpu.memref_squeeze %dma_start3A_287 : memref<1x32xf32, #tpu.memory_space<hbm>> -> memref<32xf32, #tpu.memory_space<hbm>>
    tpu.enqueue_dma source(%dma_start3A_288 : memref<32xf32, #tpu.memory_space<hbm>>) target(%dma_start3A_285 : memref<32xf32, #tpu.memory_space<vmem>>) target_semaphore(%arg15 : memref<!tpu.dma_semaphore, #tpu.memory_space<semaphore_mem>>)
    %dma_wait3A_289 = arith.constant 0 : i32
    %dma_wait3A_290 = arith.constant 0 : i32
    %dma_wait3A_291 = tpu.memref_slice %arg8[%dma_wait3A_289, %dma_wait3A_290] : memref<16x32xf32, #tpu.memory_space<vmem>> -> memref<1x32xf32, #tpu.memory_space<vmem>>
    %dma_wait3A_292 = tpu.memref_squeeze %dma_wait3A_291 : memref<1x32xf32, #tpu.memory_space<vmem>> -> memref<32xf32, #tpu.memory_space<vmem>>
    %dma_wait3A_293 = arith.constant 0 : i32
    %dma_wait3A_294 = tpu.memref_slice %arg2[%squeeze3A, %dma_wait3A_293] : memref<100000x32xf32, #tpu.memory_space<hbm>> -> memref<1x32xf32, #tpu.memory_space<hbm>>
    %dma_wait3A_295 = tpu.memref_squeeze %dma_wait3A_294 : memref<1x32xf32, #tpu.memory_space<hbm>> -> memref<32xf32, #tpu.memory_space<hbm>>
    %dma_wait3A_296 = arith.constant 0 : i32
    %dma_wait3A_297 = tpu.memref_slice %arg8[%dma_wait3A_289, %dma_wait3A_296] : memref<16x32xf32, #tpu.memory_space<vmem>> -> memref<1x32xf32, #tpu.memory_space<vmem>>
    %dma_wait3A_298 = tpu.memref_squeeze %dma_wait3A_297 : memref<1x32xf32, #tpu.memory_space<vmem>> -> memref<32xf32, #tpu.memory_space<vmem>>
    %dma_wait3A_299 = arith.constant 0 : i32
    %dma_wait3A_300 = tpu.memref_slice %arg2[%squeeze3A, %dma_wait3A_299] : memref<100000x32xf32, #tpu.memory_space<hbm>> -> memref<1x32xf32, #tpu.memory_space<hbm>>
    %dma_wait3A_301 = tpu.memref_squeeze %dma_wait3A_300 : memref<1x32xf32, #tpu.memory_space<hbm>> -> memref<32xf32, #tpu.memory_space<hbm>>
    tpu.wait_dma2 semaphore(%arg14 : memref<!tpu.dma_semaphore, #tpu.memory_space<semaphore_mem>>) src(%dma_wait3A_301 : memref<32xf32, #tpu.memory_space<hbm>>) dst(%dma_wait3A_298 : memref<32xf32, #tpu.memory_space<vmem>>)
    %dma_wait3A_302 = arith.constant 1 : i32
    %dma_wait3A_303 = arith.constant 0 : i32
    %dma_wait3A_304 = tpu.memref_slice %arg8[%dma_wait3A_302, %dma_wait3A_303] : memref<16x32xf32, #tpu.memory_space<vmem>> -> memref<1x32xf32, #tpu.memory_space<vmem>>
    %dma_wait3A_305 = tpu.memref_squeeze %dma_wait3A_304 : memref<1x32xf32, #tpu.memory_space<vmem>> -> memref<32xf32, #tpu.memory_space<vmem>>
    %dma_wait3A_306 = arith.constant 0 : i32
    %dma_wait3A_307 = tpu.memref_slice %arg2[%squeeze3A_50, %dma_wait3A_306] : memref<100000x32xf32, #tpu.memory_space<hbm>> -> memref<1x32xf32, #tpu.memory_space<hbm>>
    %dma_wait3A_308 = tpu.memref_squeeze %dma_wait3A_307 : memref<1x32xf32, #tpu.memory_space<hbm>> -> memref<32xf32, #tpu.memory_space<hbm>>
    %dma_wait3A_309 = arith.constant 0 : i32
    %dma_wait3A_310 = tpu.memref_slice %arg8[%dma_wait3A_302, %dma_wait3A_309] : memref<16x32xf32, #tpu.memory_space<vmem>> -> memref<1x32xf32, #tpu.memory_space<vmem>>
    %dma_wait3A_311 = tpu.memref_squeeze %dma_wait3A_310 : memref<1x32xf32, #tpu.memory_space<vmem>> -> memref<32xf32, #tpu.memory_space<vmem>>
    %dma_wait3A_312 = arith.constant 0 : i32
    %dma_wait3A_313 = tpu.memref_slice %arg2[%squeeze3A_50, %dma_wait3A_312] : memref<100000x32xf32, #tpu.memory_space<hbm>> -> memref<1x32xf32, #tpu.memory_space<hbm>>
    %dma_wait3A_314 = tpu.memref_squeeze %dma_wait3A_313 : memref<1x32xf32, #tpu.memory_space<hbm>> -> memref<32xf32, #tpu.memory_space<hbm>>
    tpu.wait_dma2 semaphore(%arg14 : memref<!tpu.dma_semaphore, #tpu.memory_space<semaphore_mem>>) src(%dma_wait3A_314 : memref<32xf32, #tpu.memory_space<hbm>>) dst(%dma_wait3A_311 : memref<32xf32, #tpu.memory_space<vmem>>)
    %dma_wait3A_315 = arith.constant 2 : i32
    %dma_wait3A_316 = arith.constant 0 : i32
    %dma_wait3A_317 = tpu.memref_slice %arg8[%dma_wait3A_315, %dma_wait3A_316] : memref<16x32xf32, #tpu.memory_space<vmem>> -> memref<1x32xf32, #tpu.memory_space<vmem>>
    %dma_wait3A_318 = tpu.memref_squeeze %dma_wait3A_317 : memref<1x32xf32, #tpu.memory_space<vmem>> -> memref<32xf32, #tpu.memory_space<vmem>>
    %dma_wait3A_319 = arith.constant 0 : i32
    %dma_wait3A_320 = tpu.memref_slice %arg2[%squeeze3A_65, %dma_wait3A_319] : memref<100000x32xf32, #tpu.memory_space<hbm>> -> memref<1x32xf32, #tpu.memory_space<hbm>>
    %dma_wait3A_321 = tpu.memref_squeeze %dma_wait3A_320 : memref<1x32xf32, #tpu.memory_space<hbm>> -> memref<32xf32, #tpu.memory_space<hbm>>
    %dma_wait3A_322 = arith.constant 0 : i32
    %dma_wait3A_323 = tpu.memref_slice %arg8[%dma_wait3A_315, %dma_wait3A_322] : memref<16x32xf32, #tpu.memory_space<vmem>> -> memref<1x32xf32, #tpu.memory_space<vmem>>
    %dma_wait3A_324 = tpu.memref_squeeze %dma_wait3A_323 : memref<1x32xf32, #tpu.memory_space<vmem>> -> memref<32xf32, #tpu.memory_space<vmem>>
    %dma_wait3A_325 = arith.constant 0 : i32
    %dma_wait3A_326 = tpu.memref_slice %arg2[%squeeze3A_65, %dma_wait3A_325] : memref<100000x32xf32, #tpu.memory_space<hbm>> -> memref<1x32xf32, #tpu.memory_space<hbm>>
    %dma_wait3A_327 = tpu.memref_squeeze %dma_wait3A_326 : memref<1x32xf32, #tpu.memory_space<hbm>> -> memref<32xf32, #tpu.memory_space<hbm>>
    tpu.wait_dma2 semaphore(%arg14 : memref<!tpu.dma_semaphore, #tpu.memory_space<semaphore_mem>>) src(%dma_wait3A_327 : memref<32xf32, #tpu.memory_space<hbm>>) dst(%dma_wait3A_324 : memref<32xf32, #tpu.memory_space<vmem>>)
    %dma_wait3A_328 = arith.constant 3 : i32
    %dma_wait3A_329 = arith.constant 0 : i32
    %dma_wait3A_330 = tpu.memref_slice %arg8[%dma_wait3A_328, %dma_wait3A_329] : memref<16x32xf32, #tpu.memory_space<vmem>> -> memref<1x32xf32, #tpu.memory_space<vmem>>
    %dma_wait3A_331 = tpu.memref_squeeze %dma_wait3A_330 : memref<1x32xf32, #tpu.memory_space<vmem>> -> memref<32xf32, #tpu.memory_space<vmem>>
    %dma_wait3A_332 = arith.constant 0 : i32
    %dma_wait3A_333 = tpu.memref_slice %arg2[%squeeze3A_80, %dma_wait3A_332] : memref<100000x32xf32, #tpu.memory_space<hbm>> -> memref<1x32xf32, #tpu.memory_space<hbm>>
    %dma_wait3A_334 = tpu.memref_squeeze %dma_wait3A_333 : memref<1x32xf32, #tpu.memory_space<hbm>> -> memref<32xf32, #tpu.memory_space<hbm>>
    %dma_wait3A_335 = arith.constant 0 : i32
    %dma_wait3A_336 = tpu.memref_slice %arg8[%dma_wait3A_328, %dma_wait3A_335] : memref<16x32xf32, #tpu.memory_space<vmem>> -> memref<1x32xf32, #tpu.memory_space<vmem>>
    %dma_wait3A_337 = tpu.memref_squeeze %dma_wait3A_336 : memref<1x32xf32, #tpu.memory_space<vmem>> -> memref<32xf32, #tpu.memory_space<vmem>>
    %dma_wait3A_338 = arith.constant 0 : i32
    %dma_wait3A_339 = tpu.memref_slice %arg2[%squeeze3A_80, %dma_wait3A_338] : memref<100000x32xf32, #tpu.memory_space<hbm>> -> memref<1x32xf32, #tpu.memory_space<hbm>>
    %dma_wait3A_340 = tpu.memref_squeeze %dma_wait3A_339 : memref<1x32xf32, #tpu.memory_space<hbm>> -> memref<32xf32, #tpu.memory_space<hbm>>
    tpu.wait_dma2 semaphore(%arg14 : memref<!tpu.dma_semaphore, #tpu.memory_space<semaphore_mem>>) src(%dma_wait3A_340 : memref<32xf32, #tpu.memory_space<hbm>>) dst(%dma_wait3A_337 : memref<32xf32, #tpu.memory_space<vmem>>)
    %dma_wait3A_341 = arith.constant 4 : i32
    %dma_wait3A_342 = arith.constant 0 : i32
    %dma_wait3A_343 = tpu.memref_slice %arg8[%dma_wait3A_341, %dma_wait3A_342] : memref<16x32xf32, #tpu.memory_space<vmem>> -> memref<1x32xf32, #tpu.memory_space<vmem>>
    %dma_wait3A_344 = tpu.memref_squeeze %dma_wait3A_343 : memref<1x32xf32, #tpu.memory_space<vmem>> -> memref<32xf32, #tpu.memory_space<vmem>>
    %dma_wait3A_345 = arith.constant 0 : i32
    %dma_wait3A_346 = tpu.memref_slice %arg2[%squeeze3A_95, %dma_wait3A_345] : memref<100000x32xf32, #tpu.memory_space<hbm>> -> memref<1x32xf32, #tpu.memory_space<hbm>>
    %dma_wait3A_347 = tpu.memref_squeeze %dma_wait3A_346 : memref<1x32xf32, #tpu.memory_space<hbm>> -> memref<32xf32, #tpu.memory_space<hbm>>
    %dma_wait3A_348 = arith.constant 0 : i32
    %dma_wait3A_349 = tpu.memref_slice %arg8[%dma_wait3A_341, %dma_wait3A_348] : memref<16x32xf32, #tpu.memory_space<vmem>> -> memref<1x32xf32, #tpu.memory_space<vmem>>
    %dma_wait3A_350 = tpu.memref_squeeze %dma_wait3A_349 : memref<1x32xf32, #tpu.memory_space<vmem>> -> memref<32xf32, #tpu.memory_space<vmem>>
    %dma_wait3A_351 = arith.constant 0 : i32
    %dma_wait3A_352 = tpu.memref_slice %arg2[%squeeze3A_95, %dma_wait3A_351] : memref<100000x32xf32, #tpu.memory_space<hbm>> -> memref<1x32xf32, #tpu.memory_space<hbm>>
    %dma_wait3A_353 = tpu.memref_squeeze %dma_wait3A_352 : memref<1x32xf32, #tpu.memory_space<hbm>> -> memref<32xf32, #tpu.memory_space<hbm>>
    tpu.wait_dma2 semaphore(%arg14 : memref<!tpu.dma_semaphore, #tpu.memory_space<semaphore_mem>>) src(%dma_wait3A_353 : memref<32xf32, #tpu.memory_space<hbm>>) dst(%dma_wait3A_350 : memref<32xf32, #tpu.memory_space<vmem>>)
    %dma_wait3A_354 = arith.constant 5 : i32
    %dma_wait3A_355 = arith.constant 0 : i32
    %dma_wait3A_356 = tpu.memref_slice %arg8[%dma_wait3A_354, %dma_wait3A_355] : memref<16x32xf32, #tpu.memory_space<vmem>> -> memref<1x32xf32, #tpu.memory_space<vmem>>
    %dma_wait3A_357 = tpu.memref_squeeze %dma_wait3A_356 : memref<1x32xf32, #tpu.memory_space<vmem>> -> memref<32xf32, #tpu.memory_space<vmem>>
    %dma_wait3A_358 = arith.constant 0 : i32
    %dma_wait3A_359 = tpu.memref_slice %arg2[%squeeze3A_110, %dma_wait3A_358] : memref<100000x32xf32, #tpu.memory_space<hbm>> -> memref<1x32xf32, #tpu.memory_space<hbm>>
    %dma_wait3A_360 = tpu.memref_squeeze %dma_wait3A_359 : memref<1x32xf32, #tpu.memory_space<hbm>> -> memref<32xf32, #tpu.memory_space<hbm>>
    %dma_wait3A_361 = arith.constant 0 : i32
    %dma_wait3A_362 = tpu.memref_slice %arg8[%dma_wait3A_354, %dma_wait3A_361] : memref<16x32xf32, #tpu.memory_space<vmem>> -> memref<1x32xf32, #tpu.memory_space<vmem>>
    %dma_wait3A_363 = tpu.memref_squeeze %dma_wait3A_362 : memref<1x32xf32, #tpu.memory_space<vmem>> -> memref<32xf32, #tpu.memory_space<vmem>>
    %dma_wait3A_364 = arith.constant 0 : i32
    %dma_wait3A_365 = tpu.memref_slice %arg2[%squeeze3A_110, %dma_wait3A_364] : memref<100000x32xf32, #tpu.memory_space<hbm>> -> memref<1x32xf32, #tpu.memory_space<hbm>>
    %dma_wait3A_366 = tpu.memref_squeeze %dma_wait3A_365 : memref<1x32xf32, #tpu.memory_space<hbm>> -> memref<32xf32, #tpu.memory_space<hbm>>
    tpu.wait_dma2 semaphore(%arg14 : memref<!tpu.dma_semaphore, #tpu.memory_space<semaphore_mem>>) src(%dma_wait3A_366 : memref<32xf32, #tpu.memory_space<hbm>>) dst(%dma_wait3A_363 : memref<32xf32, #tpu.memory_space<vmem>>)
    %dma_wait3A_367 = arith.constant 6 : i32
    %dma_wait3A_368 = arith.constant 0 : i32
    %dma_wait3A_369 = tpu.memref_slice %arg8[%dma_wait3A_367, %dma_wait3A_368] : memref<16x32xf32, #tpu.memory_space<vmem>> -> memref<1x32xf32, #tpu.memory_space<vmem>>
    %dma_wait3A_370 = tpu.memref_squeeze %dma_wait3A_369 : memref<1x32xf32, #tpu.memory_space<vmem>> -> memref<32xf32, #tpu.memory_space<vmem>>
    %dma_wait3A_371 = arith.constant 0 : i32
    %dma_wait3A_372 = tpu.memref_slice %arg2[%squeeze3A_125, %dma_wait3A_371] : memref<100000x32xf32, #tpu.memory_space<hbm>> -> memref<1x32xf32, #tpu.memory_space<hbm>>
    %dma_wait3A_373 = tpu.memref_squeeze %dma_wait3A_372 : memref<1x32xf32, #tpu.memory_space<hbm>> -> memref<32xf32, #tpu.memory_space<hbm>>
    %dma_wait3A_374 = arith.constant 0 : i32
    %dma_wait3A_375 = tpu.memref_slice %arg8[%dma_wait3A_367, %dma_wait3A_374] : memref<16x32xf32, #tpu.memory_space<vmem>> -> memref<1x32xf32, #tpu.memory_space<vmem>>
    %dma_wait3A_376 = tpu.memref_squeeze %dma_wait3A_375 : memref<1x32xf32, #tpu.memory_space<vmem>> -> memref<32xf32, #tpu.memory_space<vmem>>
    %dma_wait3A_377 = arith.constant 0 : i32
    %dma_wait3A_378 = tpu.memref_slice %arg2[%squeeze3A_125, %dma_wait3A_377] : memref<100000x32xf32, #tpu.memory_space<hbm>> -> memref<1x32xf32, #tpu.memory_space<hbm>>
    %dma_wait3A_379 = tpu.memref_squeeze %dma_wait3A_378 : memref<1x32xf32, #tpu.memory_space<hbm>> -> memref<32xf32, #tpu.memory_space<hbm>>
    tpu.wait_dma2 semaphore(%arg14 : memref<!tpu.dma_semaphore, #tpu.memory_space<semaphore_mem>>) src(%dma_wait3A_379 : memref<32xf32, #tpu.memory_space<hbm>>) dst(%dma_wait3A_376 : memref<32xf32, #tpu.memory_space<vmem>>)
    %dma_wait3A_380 = arith.constant 7 : i32
    %dma_wait3A_381 = arith.constant 0 : i32
    %dma_wait3A_382 = tpu.memref_slice %arg8[%dma_wait3A_380, %dma_wait3A_381] : memref<16x32xf32, #tpu.memory_space<vmem>> -> memref<1x32xf32, #tpu.memory_space<vmem>>
    %dma_wait3A_383 = tpu.memref_squeeze %dma_wait3A_382 : memref<1x32xf32, #tpu.memory_space<vmem>> -> memref<32xf32, #tpu.memory_space<vmem>>
    %dma_wait3A_384 = arith.constant 0 : i32
    %dma_wait3A_385 = tpu.memref_slice %arg2[%squeeze3A_140, %dma_wait3A_384] : memref<100000x32xf32, #tpu.memory_space<hbm>> -> memref<1x32xf32, #tpu.memory_space<hbm>>
    %dma_wait3A_386 = tpu.memref_squeeze %dma_wait3A_385 : memref<1x32xf32, #tpu.memory_space<hbm>> -> memref<32xf32, #tpu.memory_space<hbm>>
    %dma_wait3A_387 = arith.constant 0 : i32
    %dma_wait3A_388 = tpu.memref_slice %arg8[%dma_wait3A_380, %dma_wait3A_387] : memref<16x32xf32, #tpu.memory_space<vmem>> -> memref<1x32xf32, #tpu.memory_space<vmem>>
    %dma_wait3A_389 = tpu.memref_squeeze %dma_wait3A_388 : memref<1x32xf32, #tpu.memory_space<vmem>> -> memref<32xf32, #tpu.memory_space<vmem>>
    %dma_wait3A_390 = arith.constant 0 : i32
    %dma_wait3A_391 = tpu.memref_slice %arg2[%squeeze3A_140, %dma_wait3A_390] : memref<100000x32xf32, #tpu.memory_space<hbm>> -> memref<1x32xf32, #tpu.memory_space<hbm>>
    %dma_wait3A_392 = tpu.memref_squeeze %dma_wait3A_391 : memref<1x32xf32, #tpu.memory_space<hbm>> -> memref<32xf32, #tpu.memory_space<hbm>>
    tpu.wait_dma2 semaphore(%arg14 : memref<!tpu.dma_semaphore, #tpu.memory_space<semaphore_mem>>) src(%dma_wait3A_392 : memref<32xf32, #tpu.memory_space<hbm>>) dst(%dma_wait3A_389 : memref<32xf32, #tpu.memory_space<vmem>>)
    %dma_wait3A_393 = arith.constant 8 : i32
    %dma_wait3A_394 = arith.constant 0 : i32
    %dma_wait3A_395 = tpu.memref_slice %arg8[%dma_wait3A_393, %dma_wait3A_394] : memref<16x32xf32, #tpu.memory_space<vmem>> -> memref<1x32xf32, #tpu.memory_space<vmem>>
    %dma_wait3A_396 = tpu.memref_squeeze %dma_wait3A_395 : memref<1x32xf32, #tpu.memory_space<vmem>> -> memref<32xf32, #tpu.memory_space<vmem>>
    %dma_wait3A_397 = arith.constant 0 : i32
    %dma_wait3A_398 = tpu.memref_slice %arg2[%squeeze3A_155, %dma_wait3A_397] : memref<100000x32xf32, #tpu.memory_space<hbm>> -> memref<1x32xf32, #tpu.memory_space<hbm>>
    %dma_wait3A_399 = tpu.memref_squeeze %dma_wait3A_398 : memref<1x32xf32, #tpu.memory_space<hbm>> -> memref<32xf32, #tpu.memory_space<hbm>>
    %dma_wait3A_400 = arith.constant 0 : i32
    %dma_wait3A_401 = tpu.memref_slice %arg8[%dma_wait3A_393, %dma_wait3A_400] : memref<16x32xf32, #tpu.memory_space<vmem>> -> memref<1x32xf32, #tpu.memory_space<vmem>>
    %dma_wait3A_402 = tpu.memref_squeeze %dma_wait3A_401 : memref<1x32xf32, #tpu.memory_space<vmem>> -> memref<32xf32, #tpu.memory_space<vmem>>
    %dma_wait3A_403 = arith.constant 0 : i32
    %dma_wait3A_404 = tpu.memref_slice %arg2[%squeeze3A_155, %dma_wait3A_403] : memref<100000x32xf32, #tpu.memory_space<hbm>> -> memref<1x32xf32, #tpu.memory_space<hbm>>
    %dma_wait3A_405 = tpu.memref_squeeze %dma_wait3A_404 : memref<1x32xf32, #tpu.memory_space<hbm>> -> memref<32xf32, #tpu.memory_space<hbm>>
    tpu.wait_dma2 semaphore(%arg14 : memref<!tpu.dma_semaphore, #tpu.memory_space<semaphore_mem>>) src(%dma_wait3A_405 : memref<32xf32, #tpu.memory_space<hbm>>) dst(%dma_wait3A_402 : memref<32xf32, #tpu.memory_space<vmem>>)
    %dma_wait3A_406 = arith.constant 9 : i32
    %dma_wait3A_407 = arith.constant 0 : i32
    %dma_wait3A_408 = tpu.memref_slice %arg8[%dma_wait3A_406, %dma_wait3A_407] : memref<16x32xf32, #tpu.memory_space<vmem>> -> memref<1x32xf32, #tpu.memory_space<vmem>>
    %dma_wait3A_409 = tpu.memref_squeeze %dma_wait3A_408 : memref<1x32xf32, #tpu.memory_space<vmem>> -> memref<32xf32, #tpu.memory_space<vmem>>
    %dma_wait3A_410 = arith.constant 0 : i32
    %dma_wait3A_411 = tpu.memref_slice %arg2[%squeeze3A_170, %dma_wait3A_410] : memref<100000x32xf32, #tpu.memory_space<hbm>> -> memref<1x32xf32, #tpu.memory_space<hbm>>
    %dma_wait3A_412 = tpu.memref_squeeze %dma_wait3A_411 : memref<1x32xf32, #tpu.memory_space<hbm>> -> memref<32xf32, #tpu.memory_space<hbm>>
    %dma_wait3A_413 = arith.constant 0 : i32
    %dma_wait3A_414 = tpu.memref_slice %arg8[%dma_wait3A_406, %dma_wait3A_413] : memref<16x32xf32, #tpu.memory_space<vmem>> -> memref<1x32xf32, #tpu.memory_space<vmem>>
    %dma_wait3A_415 = tpu.memref_squeeze %dma_wait3A_414 : memref<1x32xf32, #tpu.memory_space<vmem>> -> memref<32xf32, #tpu.memory_space<vmem>>
    %dma_wait3A_416 = arith.constant 0 : i32
    %dma_wait3A_417 = tpu.memref_slice %arg2[%squeeze3A_170, %dma_wait3A_416] : memref<100000x32xf32, #tpu.memory_space<hbm>> -> memref<1x32xf32, #tpu.memory_space<hbm>>
    %dma_wait3A_418 = tpu.memref_squeeze %dma_wait3A_417 : memref<1x32xf32, #tpu.memory_space<hbm>> -> memref<32xf32, #tpu.memory_space<hbm>>
    tpu.wait_dma2 semaphore(%arg14 : memref<!tpu.dma_semaphore, #tpu.memory_space<semaphore_mem>>) src(%dma_wait3A_418 : memref<32xf32, #tpu.memory_space<hbm>>) dst(%dma_wait3A_415 : memref<32xf32, #tpu.memory_space<vmem>>)
    %dma_wait3A_419 = arith.constant 10 : i32
    %dma_wait3A_420 = arith.constant 0 : i32
    %dma_wait3A_421 = tpu.memref_slice %arg8[%dma_wait3A_419, %dma_wait3A_420] : memref<16x32xf32, #tpu.memory_space<vmem>> -> memref<1x32xf32, #tpu.memory_space<vmem>>
    %dma_wait3A_422 = tpu.memref_squeeze %dma_wait3A_421 : memref<1x32xf32, #tpu.memory_space<vmem>> -> memref<32xf32, #tpu.memory_space<vmem>>
    %dma_wait3A_423 = arith.constant 0 : i32
    %dma_wait3A_424 = tpu.memref_slice %arg2[%squeeze3A_185, %dma_wait3A_423] : memref<100000x32xf32, #tpu.memory_space<hbm>> -> memref<1x32xf32, #tpu.memory_space<hbm>>
    %dma_wait3A_425 = tpu.memref_squeeze %dma_wait3A_424 : memref<1x32xf32, #tpu.memory_space<hbm>> -> memref<32xf32, #tpu.memory_space<hbm>>
    %dma_wait3A_426 = arith.constant 0 : i32
    %dma_wait3A_427 = tpu.memref_slice %arg8[%dma_wait3A_419, %dma_wait3A_426] : memref<16x32xf32, #tpu.memory_space<vmem>> -> memref<1x32xf32, #tpu.memory_space<vmem>>
    %dma_wait3A_428 = tpu.memref_squeeze %dma_wait3A_427 : memref<1x32xf32, #tpu.memory_space<vmem>> -> memref<32xf32, #tpu.memory_space<vmem>>
    %dma_wait3A_429 = arith.constant 0 : i32
    %dma_wait3A_430 = tpu.memref_slice %arg2[%squeeze3A_185, %dma_wait3A_429] : memref<100000x32xf32, #tpu.memory_space<hbm>> -> memref<1x32xf32, #tpu.memory_space<hbm>>
    %dma_wait3A_431 = tpu.memref_squeeze %dma_wait3A_430 : memref<1x32xf32, #tpu.memory_space<hbm>> -> memref<32xf32, #tpu.memory_space<hbm>>
    tpu.wait_dma2 semaphore(%arg14 : memref<!tpu.dma_semaphore, #tpu.memory_space<semaphore_mem>>) src(%dma_wait3A_431 : memref<32xf32, #tpu.memory_space<hbm>>) dst(%dma_wait3A_428 : memref<32xf32, #tpu.memory_space<vmem>>)
    %dma_wait3A_432 = arith.constant 11 : i32
    %dma_wait3A_433 = arith.constant 0 : i32
    %dma_wait3A_434 = tpu.memref_slice %arg8[%dma_wait3A_432, %dma_wait3A_433] : memref<16x32xf32, #tpu.memory_space<vmem>> -> memref<1x32xf32, #tpu.memory_space<vmem>>
    %dma_wait3A_435 = tpu.memref_squeeze %dma_wait3A_434 : memref<1x32xf32, #tpu.memory_space<vmem>> -> memref<32xf32, #tpu.memory_space<vmem>>
    %dma_wait3A_436 = arith.constant 0 : i32
    %dma_wait3A_437 = tpu.memref_slice %arg2[%squeeze3A_200, %dma_wait3A_436] : memref<100000x32xf32, #tpu.memory_space<hbm>> -> memref<1x32xf32, #tpu.memory_space<hbm>>
    %dma_wait3A_438 = tpu.memref_squeeze %dma_wait3A_437 : memref<1x32xf32, #tpu.memory_space<hbm>> -> memref<32xf32, #tpu.memory_space<hbm>>
    %dma_wait3A_439 = arith.constant 0 : i32
    %dma_wait3A_440 = tpu.memref_slice %arg8[%dma_wait3A_432, %dma_wait3A_439] : memref<16x32xf32, #tpu.memory_space<vmem>> -> memref<1x32xf32, #tpu.memory_space<vmem>>
    %dma_wait3A_441 = tpu.memref_squeeze %dma_wait3A_440 : memref<1x32xf32, #tpu.memory_space<vmem>> -> memref<32xf32, #tpu.memory_space<vmem>>
    %dma_wait3A_442 = arith.constant 0 : i32
    %dma_wait3A_443 = tpu.memref_slice %arg2[%squeeze3A_200, %dma_wait3A_442] : memref<100000x32xf32, #tpu.memory_space<hbm>> -> memref<1x32xf32, #tpu.memory_space<hbm>>
    %dma_wait3A_444 = tpu.memref_squeeze %dma_wait3A_443 : memref<1x32xf32, #tpu.memory_space<hbm>> -> memref<32xf32, #tpu.memory_space<hbm>>
    tpu.wait_dma2 semaphore(%arg14 : memref<!tpu.dma_semaphore, #tpu.memory_space<semaphore_mem>>) src(%dma_wait3A_444 : memref<32xf32, #tpu.memory_space<hbm>>) dst(%dma_wait3A_441 : memref<32xf32, #tpu.memory_space<vmem>>)
    %dma_wait3A_445 = arith.constant 12 : i32
    %dma_wait3A_446 = arith.constant 0 : i32
    %dma_wait3A_447 = tpu.memref_slice %arg8[%dma_wait3A_445, %dma_wait3A_446] : memref<16x32xf32, #tpu.memory_space<vmem>> -> memref<1x32xf32, #tpu.memory_space<vmem>>
    %dma_wait3A_448 = tpu.memref_squeeze %dma_wait3A_447 : memref<1x32xf32, #tpu.memory_space<vmem>> -> memref<32xf32, #tpu.memory_space<vmem>>
    %dma_wait3A_449 = arith.constant 0 : i32
    %dma_wait3A_450 = tpu.memref_slice %arg2[%squeeze3A_215, %dma_wait3A_449] : memref<100000x32xf32, #tpu.memory_space<hbm>> -> memref<1x32xf32, #tpu.memory_space<hbm>>
    %dma_wait3A_451 = tpu.memref_squeeze %dma_wait3A_450 : memref<1x32xf32, #tpu.memory_space<hbm>> -> memref<32xf32, #tpu.memory_space<hbm>>
    %dma_wait3A_452 = arith.constant 0 : i32
    %dma_wait3A_453 = tpu.memref_slice %arg8[%dma_wait3A_445, %dma_wait3A_452] : memref<16x32xf32, #tpu.memory_space<vmem>> -> memref<1x32xf32, #tpu.memory_space<vmem>>
    %dma_wait3A_454 = tpu.memref_squeeze %dma_wait3A_453 : memref<1x32xf32, #tpu.memory_space<vmem>> -> memref<32xf32, #tpu.memory_space<vmem>>
    %dma_wait3A_455 = arith.constant 0 : i32
    %dma_wait3A_456 = tpu.memref_slice %arg2[%squeeze3A_215, %dma_wait3A_455] : memref<100000x32xf32, #tpu.memory_space<hbm>> -> memref<1x32xf32, #tpu.memory_space<hbm>>
    %dma_wait3A_457 = tpu.memref_squeeze %dma_wait3A_456 : memref<1x32xf32, #tpu.memory_space<hbm>> -> memref<32xf32, #tpu.memory_space<hbm>>
    tpu.wait_dma2 semaphore(%arg14 : memref<!tpu.dma_semaphore, #tpu.memory_space<semaphore_mem>>) src(%dma_wait3A_457 : memref<32xf32, #tpu.memory_space<hbm>>) dst(%dma_wait3A_454 : memref<32xf32, #tpu.memory_space<vmem>>)
    %dma_wait3A_458 = arith.constant 13 : i32
    %dma_wait3A_459 = arith.constant 0 : i32
    %dma_wait3A_460 = tpu.memref_slice %arg8[%dma_wait3A_458, %dma_wait3A_459] : memref<16x32xf32, #tpu.memory_space<vmem>> -> memref<1x32xf32, #tpu.memory_space<vmem>>
    %dma_wait3A_461 = tpu.memref_squeeze %dma_wait3A_460 : memref<1x32xf32, #tpu.memory_space<vmem>> -> memref<32xf32, #tpu.memory_space<vmem>>
    %dma_wait3A_462 = arith.constant 0 : i32
    %dma_wait3A_463 = tpu.memref_slice %arg2[%squeeze3A_230, %dma_wait3A_462] : memref<100000x32xf32, #tpu.memory_space<hbm>> -> memref<1x32xf32, #tpu.memory_space<hbm>>
    %dma_wait3A_464 = tpu.memref_squeeze %dma_wait3A_463 : memref<1x32xf32, #tpu.memory_space<hbm>> -> memref<32xf32, #tpu.memory_space<hbm>>
    %dma_wait3A_465 = arith.constant 0 : i32
    %dma_wait3A_466 = tpu.memref_slice %arg8[%dma_wait3A_458, %dma_wait3A_465] : memref<16x32xf32, #tpu.memory_space<vmem>> -> memref<1x32xf32, #tpu.memory_space<vmem>>
    %dma_wait3A_467 = tpu.memref_squeeze %dma_wait3A_466 : memref<1x32xf32, #tpu.memory_space<vmem>> -> memref<32xf32, #tpu.memory_space<vmem>>
    %dma_wait3A_468 = arith.constant 0 : i32
    %dma_wait3A_469 = tpu.memref_slice %arg2[%squeeze3A_230, %dma_wait3A_468] : memref<100000x32xf32, #tpu.memory_space<hbm>> -> memref<1x32xf32, #tpu.memory_space<hbm>>
    %dma_wait3A_470 = tpu.memref_squeeze %dma_wait3A_469 : memref<1x32xf32, #tpu.memory_space<hbm>> -> memref<32xf32, #tpu.memory_space<hbm>>
    tpu.wait_dma2 semaphore(%arg14 : memref<!tpu.dma_semaphore, #tpu.memory_space<semaphore_mem>>) src(%dma_wait3A_470 : memref<32xf32, #tpu.memory_space<hbm>>) dst(%dma_wait3A_467 : memref<32xf32, #tpu.memory_space<vmem>>)
    %dma_wait3A_471 = arith.constant 14 : i32
    %dma_wait3A_472 = arith.constant 0 : i32
    %dma_wait3A_473 = tpu.memref_slice %arg8[%dma_wait3A_471, %dma_wait3A_472] : memref<16x32xf32, #tpu.memory_space<vmem>> -> memref<1x32xf32, #tpu.memory_space<vmem>>
    %dma_wait3A_474 = tpu.memref_squeeze %dma_wait3A_473 : memref<1x32xf32, #tpu.memory_space<vmem>> -> memref<32xf32, #tpu.memory_space<vmem>>
    %dma_wait3A_475 = arith.constant 0 : i32
    %dma_wait3A_476 = tpu.memref_slice %arg2[%squeeze3A_245, %dma_wait3A_475] : memref<100000x32xf32, #tpu.memory_space<hbm>> -> memref<1x32xf32, #tpu.memory_space<hbm>>
    %dma_wait3A_477 = tpu.memref_squeeze %dma_wait3A_476 : memref<1x32xf32, #tpu.memory_space<hbm>> -> memref<32xf32, #tpu.memory_space<hbm>>
    %dma_wait3A_478 = arith.constant 0 : i32
    %dma_wait3A_479 = tpu.memref_slice %arg8[%dma_wait3A_471, %dma_wait3A_478] : memref<16x32xf32, #tpu.memory_space<vmem>> -> memref<1x32xf32, #tpu.memory_space<vmem>>
    %dma_wait3A_480 = tpu.memref_squeeze %dma_wait3A_479 : memref<1x32xf32, #tpu.memory_space<vmem>> -> memref<32xf32, #tpu.memory_space<vmem>>
    %dma_wait3A_481 = arith.constant 0 : i32
    %dma_wait3A_482 = tpu.memref_slice %arg2[%squeeze3A_245, %dma_wait3A_481] : memref<100000x32xf32, #tpu.memory_space<hbm>> -> memref<1x32xf32, #tpu.memory_space<hbm>>
    %dma_wait3A_483 = tpu.memref_squeeze %dma_wait3A_482 : memref<1x32xf32, #tpu.memory_space<hbm>> -> memref<32xf32, #tpu.memory_space<hbm>>
    tpu.wait_dma2 semaphore(%arg14 : memref<!tpu.dma_semaphore, #tpu.memory_space<semaphore_mem>>) src(%dma_wait3A_483 : memref<32xf32, #tpu.memory_space<hbm>>) dst(%dma_wait3A_480 : memref<32xf32, #tpu.memory_space<vmem>>)
    %dma_wait3A_484 = arith.constant 15 : i32
    %dma_wait3A_485 = arith.constant 0 : i32
    %dma_wait3A_486 = tpu.memref_slice %arg8[%dma_wait3A_484, %dma_wait3A_485] : memref<16x32xf32, #tpu.memory_space<vmem>> -> memref<1x32xf32, #tpu.memory_space<vmem>>
    %dma_wait3A_487 = tpu.memref_squeeze %dma_wait3A_486 : memref<1x32xf32, #tpu.memory_space<vmem>> -> memref<32xf32, #tpu.memory_space<vmem>>
    %dma_wait3A_488 = arith.constant 0 : i32
    %dma_wait3A_489 = tpu.memref_slice %arg2[%squeeze3A_260, %dma_wait3A_488] : memref<100000x32xf32, #tpu.memory_space<hbm>> -> memref<1x32xf32, #tpu.memory_space<hbm>>
    %dma_wait3A_490 = tpu.memref_squeeze %dma_wait3A_489 : memref<1x32xf32, #tpu.memory_space<hbm>> -> memref<32xf32, #tpu.memory_space<hbm>>
    %dma_wait3A_491 = arith.constant 0 : i32
    %dma_wait3A_492 = tpu.memref_slice %arg8[%dma_wait3A_484, %dma_wait3A_491] : memref<16x32xf32, #tpu.memory_space<vmem>> -> memref<1x32xf32, #tpu.memory_space<vmem>>
    %dma_wait3A_493 = tpu.memref_squeeze %dma_wait3A_492 : memref<1x32xf32, #tpu.memory_space<vmem>> -> memref<32xf32, #tpu.memory_space<vmem>>
    %dma_wait3A_494 = arith.constant 0 : i32
    %dma_wait3A_495 = tpu.memref_slice %arg2[%squeeze3A_260, %dma_wait3A_494] : memref<100000x32xf32, #tpu.memory_space<hbm>> -> memref<1x32xf32, #tpu.memory_space<hbm>>
    %dma_wait3A_496 = tpu.memref_squeeze %dma_wait3A_495 : memref<1x32xf32, #tpu.memory_space<hbm>> -> memref<32xf32, #tpu.memory_space<hbm>>
    tpu.wait_dma2 semaphore(%arg14 : memref<!tpu.dma_semaphore, #tpu.memory_space<semaphore_mem>>) src(%dma_wait3A_496 : memref<32xf32, #tpu.memory_space<hbm>>) dst(%dma_wait3A_493 : memref<32xf32, #tpu.memory_space<vmem>>)
    %dma_wait3A_497 = arith.constant 0 : i32
    %dma_wait3A_498 = arith.constant 0 : i32
    %dma_wait3A_499 = tpu.memref_slice %arg9[%dma_wait3A_497, %dma_wait3A_498] : memref<1x32xf32, #tpu.memory_space<vmem>> -> memref<1x32xf32, #tpu.memory_space<vmem>>
    %dma_wait3A_500 = tpu.memref_squeeze %dma_wait3A_499 : memref<1x32xf32, #tpu.memory_space<vmem>> -> memref<32xf32, #tpu.memory_space<vmem>>
    %dma_wait3A_501 = arith.constant 0 : i32
    %dma_wait3A_502 = tpu.memref_slice %arg2[%squeeze3A_275, %dma_wait3A_501] : memref<100000x32xf32, #tpu.memory_space<hbm>> -> memref<1x32xf32, #tpu.memory_space<hbm>>
    %dma_wait3A_503 = tpu.memref_squeeze %dma_wait3A_502 : memref<1x32xf32, #tpu.memory_space<hbm>> -> memref<32xf32, #tpu.memory_space<hbm>>
    %dma_wait3A_504 = arith.constant 0 : i32
    %dma_wait3A_505 = tpu.memref_slice %arg9[%dma_wait3A_497, %dma_wait3A_504] : memref<1x32xf32, #tpu.memory_space<vmem>> -> memref<1x32xf32, #tpu.memory_space<vmem>>
    %dma_wait3A_506 = tpu.memref_squeeze %dma_wait3A_505 : memref<1x32xf32, #tpu.memory_space<vmem>> -> memref<32xf32, #tpu.memory_space<vmem>>
    %dma_wait3A_507 = arith.constant 0 : i32
    %dma_wait3A_508 = tpu.memref_slice %arg2[%squeeze3A_275, %dma_wait3A_507] : memref<100000x32xf32, #tpu.memory_space<hbm>> -> memref<1x32xf32, #tpu.memory_space<hbm>>
    %dma_wait3A_509 = tpu.memref_squeeze %dma_wait3A_508 : memref<1x32xf32, #tpu.memory_space<hbm>> -> memref<32xf32, #tpu.memory_space<hbm>>
    tpu.wait_dma2 semaphore(%arg15 : memref<!tpu.dma_semaphore, #tpu.memory_space<semaphore_mem>>) src(%dma_wait3A_509 : memref<32xf32, #tpu.memory_space<hbm>>) dst(%dma_wait3A_506 : memref<32xf32, #tpu.memory_space<vmem>>)
    %iota3A = tpu.iota {dimensions = array<i32: 0>} : vector<16xi32>
    %get3A_510 = arith.constant 0 : i32
    %get3A_511 = arith.index_cast %get3A_510 : i32 to index
    %get3A_512 = arith.constant 0 : index
    %get3A_513 = tpu.vector_load %arg9[%get3A_511, %get3A_512] {strides = array<i32>} : memref<1x32xf32, #tpu.memory_space<vmem>>, vector<16xf32>,
    %get3A_514 = arith.constant 0 : i32
    %get3A_515 = arith.index_cast %get3A_514 : i32 to index
    %get3A_516 = arith.constant 16 : index
    %get3A_517 = tpu.vector_load %arg9[%get3A_515, %get3A_516] {strides = array<i32>} : memref<1x32xf32, #tpu.memory_space<vmem>>, vector<16xf32>,
    %broadcast_in_dim3A_518 = arith.constant 0.000000e+00 : f32
    %broadcast_in_dim3A_519 = vector.broadcast %broadcast_in_dim3A_518 : f32 to vector<16xf32>
    %get3A_520 = arith.constant 0 : i32
    %get3A_521 = arith.index_cast %get3A_520 : i32 to index
    %get3A_522 = arith.constant 0 : index
    %get3A_523 = tpu.vector_load %arg8[%get3A_521, %get3A_522] {strides = array<i32>} : memref<16x32xf32, #tpu.memory_space<vmem>>, vector<16xf32>,
    %get3A_524 = arith.constant 0 : i32
    %get3A_525 = arith.index_cast %get3A_524 : i32 to index
    %get3A_526 = arith.constant 16 : index
    %get3A_527 = tpu.vector_load %arg8[%get3A_525, %get3A_526] {strides = array<i32>} : memref<16x32xf32, #tpu.memory_space<vmem>>, vector<16xf32>,
    %mul3A = arith.mulf %get3A_523, %get3A_513 : vector<16xf32>
    %mul3A_528 = arith.mulf %get3A_527, %get3A_517 : vector<16xf32>
    %add3A = arith.addf %mul3A, %mul3A_528 : vector<16xf32>
    %reduce_sum3A = arith.constant true
    %reduce_sum3A_529 = vector.broadcast %reduce_sum3A : i1 to vector<16xi1>
    %reduce_sum3A_530 = tpu.scan <sum>, %add3A masked %reduce_sum3A_529 : vector<16xf32>, vector<16xi1> -> vector<16xf32>
    %reduce_sum3A_531 = vector.extract %reduce_sum3A_530[15] : f32 from vector<16xf32>
    %eq3A_532 = arith.constant 0 : i32
    %eq3A_533 = vector.broadcast %eq3A_532 : i32 to vector<16xi32>
    %eq3A_534 = arith.cmpi eq, %iota3A, %eq3A_533 : vector<16xi32>
    %broadcast_in_dim3A_535 = vector.broadcast %reduce_sum3A_531 : f32 to vector<16xf32>
    %select_n3A = arith.select %eq3A_534, %broadcast_in_dim3A_535, %broadcast_in_dim3A_519 : vector<16xi1>, vector<16xf32>
    %get3A_536 = arith.constant 1 : i32
    %get3A_537 = arith.index_cast %get3A_536 : i32 to index
    %get3A_538 = arith.constant 0 : index
    %get3A_539 = tpu.vector_load %arg8[%get3A_537, %get3A_538] {strides = array<i32>} : memref<16x32xf32, #tpu.memory_space<vmem>>, vector<16xf32>,
    %get3A_540 = arith.constant 1 : i32
    %get3A_541 = arith.index_cast %get3A_540 : i32 to index
    %get3A_542 = arith.constant 16 : index
    %get3A_543 = tpu.vector_load %arg8[%get3A_541, %get3A_542] {strides = array<i32>} : memref<16x32xf32, #tpu.memory_space<vmem>>, vector<16xf32>,
    %mul3A_544 = arith.mulf %get3A_539, %get3A_513 : vector<16xf32>
    %mul3A_545 = arith.mulf %get3A_543, %get3A_517 : vector<16xf32>
    %add3A_546 = arith.addf %mul3A_544, %mul3A_545 : vector<16xf32>
    %reduce_sum3A_547 = arith.constant true
    %reduce_sum3A_548 = vector.broadcast %reduce_sum3A_547 : i1 to vector<16xi1>
    %reduce_sum3A_549 = tpu.scan <sum>, %add3A_546 masked %reduce_sum3A_548 : vector<16xf32>, vector<16xi1> -> vector<16xf32>
    %reduce_sum3A_550 = vector.extract %reduce_sum3A_549[15] : f32 from vector<16xf32>
    %eq3A_551 = arith.constant 1 : i32
    %eq3A_552 = vector.broadcast %eq3A_551 : i32 to vector<16xi32>
    %eq3A_553 = arith.cmpi eq, %iota3A, %eq3A_552 : vector<16xi32>
    %broadcast_in_dim3A_554 = vector.broadcast %reduce_sum3A_550 : f32 to vector<16xf32>
    %select_n3A_555 = arith.select %eq3A_553, %broadcast_in_dim3A_554, %select_n3A : vector<16xi1>, vector<16xf32>
    %get3A_556 = arith.constant 2 : i32
    %get3A_557 = arith.index_cast %get3A_556 : i32 to index
    %get3A_558 = arith.constant 0 : index
    %get3A_559 = tpu.vector_load %arg8[%get3A_557, %get3A_558] {strides = array<i32>} : memref<16x32xf32, #tpu.memory_space<vmem>>, vector<16xf32>,
    %get3A_560 = arith.constant 2 : i32
    %get3A_561 = arith.index_cast %get3A_560 : i32 to index
    %get3A_562 = arith.constant 16 : index
    %get3A_563 = tpu.vector_load %arg8[%get3A_561, %get3A_562] {strides = array<i32>} : memref<16x32xf32, #tpu.memory_space<vmem>>, vector<16xf32>,
    %mul3A_564 = arith.mulf %get3A_559, %get3A_513 : vector<16xf32>
    %mul3A_565 = arith.mulf %get3A_563, %get3A_517 : vector<16xf32>
    %add3A_566 = arith.addf %mul3A_564, %mul3A_565 : vector<16xf32>
    %reduce_sum3A_567 = arith.constant true
    %reduce_sum3A_568 = vector.broadcast %reduce_sum3A_567 : i1 to vector<16xi1>
    %reduce_sum3A_569 = tpu.scan <sum>, %add3A_566 masked %reduce_sum3A_568 : vector<16xf32>, vector<16xi1> -> vector<16xf32>
    %reduce_sum3A_570 = vector.extract %reduce_sum3A_569[15] : f32 from vector<16xf32>
    %eq3A_571 = arith.constant 2 : i32
    %eq3A_572 = vector.broadcast %eq3A_571 : i32 to vector<16xi32>
    %eq3A_573 = arith.cmpi eq, %iota3A, %eq3A_572 : vector<16xi32>
    %broadcast_in_dim3A_574 = vector.broadcast %reduce_sum3A_570 : f32 to vector<16xf32>
    %select_n3A_575 = arith.select %eq3A_573, %broadcast_in_dim3A_574, %select_n3A_555 : vector<16xi1>, vector<16xf32>
    %get3A_576 = arith.constant 3 : i32
    %get3A_577 = arith.index_cast %get3A_576 : i32 to index
    %get3A_578 = arith.constant 0 : index
    %get3A_579 = tpu.vector_load %arg8[%get3A_577, %get3A_578] {strides = array<i32>} : memref<16x32xf32, #tpu.memory_space<vmem>>, vector<16xf32>,
    %get3A_580 = arith.constant 3 : i32
    %get3A_581 = arith.index_cast %get3A_580 : i32 to index
    %get3A_582 = arith.constant 16 : index
    %get3A_583 = tpu.vector_load %arg8[%get3A_581, %get3A_582] {strides = array<i32>} : memref<16x32xf32, #tpu.memory_space<vmem>>, vector<16xf32>,
    %mul3A_584 = arith.mulf %get3A_579, %get3A_513 : vector<16xf32>
    %mul3A_585 = arith.mulf %get3A_583, %get3A_517 : vector<16xf32>
    %add3A_586 = arith.addf %mul3A_584, %mul3A_585 : vector<16xf32>
    %reduce_sum3A_587 = arith.constant true
    %reduce_sum3A_588 = vector.broadcast %reduce_sum3A_587 : i1 to vector<16xi1>
    %reduce_sum3A_589 = tpu.scan <sum>, %add3A_586 masked %reduce_sum3A_588 : vector<16xf32>, vector<16xi1> -> vector<16xf32>
    %reduce_sum3A_590 = vector.extract %reduce_sum3A_589[15] : f32 from vector<16xf32>
    %eq3A_591 = arith.constant 3 : i32
    %eq3A_592 = vector.broadcast %eq3A_591 : i32 to vector<16xi32>
    %eq3A_593 = arith.cmpi eq, %iota3A, %eq3A_592 : vector<16xi32>
    %broadcast_in_dim3A_594 = vector.broadcast %reduce_sum3A_590 : f32 to vector<16xf32>
    %select_n3A_595 = arith.select %eq3A_593, %broadcast_in_dim3A_594, %select_n3A_575 : vector<16xi1>, vector<16xf32>
    %get3A_596 = arith.constant 4 : i32
    %get3A_597 = arith.index_cast %get3A_596 : i32 to index
    %get3A_598 = arith.constant 0 : index
    %get3A_599 = tpu.vector_load %arg8[%get3A_597, %get3A_598] {strides = array<i32>} : memref<16x32xf32, #tpu.memory_space<vmem>>, vector<16xf32>,
    %get3A_600 = arith.constant 4 : i32
    %get3A_601 = arith.index_cast %get3A_600 : i32 to index
    %get3A_602 = arith.constant 16 : index
    %get3A_603 = tpu.vector_load %arg8[%get3A_601, %get3A_602] {strides = array<i32>} : memref<16x32xf32, #tpu.memory_space<vmem>>, vector<16xf32>,
    %mul3A_604 = arith.mulf %get3A_599, %get3A_513 : vector<16xf32>
    %mul3A_605 = arith.mulf %get3A_603, %get3A_517 : vector<16xf32>
    %add3A_606 = arith.addf %mul3A_604, %mul3A_605 : vector<16xf32>
    %reduce_sum3A_607 = arith.constant true
    %reduce_sum3A_608 = vector.broadcast %reduce_sum3A_607 : i1 to vector<16xi1>
    %reduce_sum3A_609 = tpu.scan <sum>, %add3A_606 masked %reduce_sum3A_608 : vector<16xf32>, vector<16xi1> -> vector<16xf32>
    %reduce_sum3A_610 = vector.extract %reduce_sum3A_609[15] : f32 from vector<16xf32>
    %eq3A_611 = arith.constant 4 : i32
    %eq3A_612 = vector.broadcast %eq3A_611 : i32 to vector<16xi32>
    %eq3A_613 = arith.cmpi eq, %iota3A, %eq3A_612 : vector<16xi32>
    %broadcast_in_dim3A_614 = vector.broadcast %reduce_sum3A_610 : f32 to vector<16xf32>
    %select_n3A_615 = arith.select %eq3A_613, %broadcast_in_dim3A_614, %select_n3A_595 : vector<16xi1>, vector<16xf32>
    %get3A_616 = arith.constant 5 : i32
    %get3A_617 = arith.index_cast %get3A_616 : i32 to index
    %get3A_618 = arith.constant 0 : index
    %get3A_619 = tpu.vector_load %arg8[%get3A_617, %get3A_618] {strides = array<i32>} : memref<16x32xf32, #tpu.memory_space<vmem>>, vector<16xf32>,
    %get3A_620 = arith.constant 5 : i32
    %get3A_621 = arith.index_cast %get3A_620 : i32 to index
    %get3A_622 = arith.constant 16 : index
    %get3A_623 = tpu.vector_load %arg8[%get3A_621, %get3A_622] {strides = array<i32>} : memref<16x32xf32, #tpu.memory_space<vmem>>, vector<16xf32>,
    %mul3A_624 = arith.mulf %get3A_619, %get3A_513 : vector<16xf32>
    %mul3A_625 = arith.mulf %get3A_623, %get3A_517 : vector<16xf32>
    %add3A_626 = arith.addf %mul3A_624, %mul3A_625 : vector<16xf32>
    %reduce_sum3A_627 = arith.constant true
    %reduce_sum3A_628 = vector.broadcast %reduce_sum3A_627 : i1 to vector<16xi1>
    %reduce_sum3A_629 = tpu.scan <sum>, %add3A_626 masked %reduce_sum3A_628 : vector<16xf32>, vector<16xi1> -> vector<16xf32>
    %reduce_sum3A_630 = vector.extract %reduce_sum3A_629[15] : f32 from vector<16xf32>
    %eq3A_631 = arith.constant 5 : i32
    %eq3A_632 = vector.broadcast %eq3A_631 : i32 to vector<16xi32>
    %eq3A_633 = arith.cmpi eq, %iota3A, %eq3A_632 : vector<16xi32>
    %broadcast_in_dim3A_634 = vector.broadcast %reduce_sum3A_630 : f32 to vector<16xf32>
    %select_n3A_635 = arith.select %eq3A_633, %broadcast_in_dim3A_634, %select_n3A_615 : vector<16xi1>, vector<16xf32>
    %get3A_636 = arith.constant 6 : i32
    %get3A_637 = arith.index_cast %get3A_636 : i32 to index
    %get3A_638 = arith.constant 0 : index
    %get3A_639 = tpu.vector_load %arg8[%get3A_637, %get3A_638] {strides = array<i32>} : memref<16x32xf32, #tpu.memory_space<vmem>>, vector<16xf32>,
    %get3A_640 = arith.constant 6 : i32
    %get3A_641 = arith.index_cast %get3A_640 : i32 to index
    %get3A_642 = arith.constant 16 : index
    %get3A_643 = tpu.vector_load %arg8[%get3A_641, %get3A_642] {strides = array<i32>} : memref<16x32xf32, #tpu.memory_space<vmem>>, vector<16xf32>,
    %mul3A_644 = arith.mulf %get3A_639, %get3A_513 : vector<16xf32>
    %mul3A_645 = arith.mulf %get3A_643, %get3A_517 : vector<16xf32>
    %add3A_646 = arith.addf %mul3A_644, %mul3A_645 : vector<16xf32>
    %reduce_sum3A_647 = arith.constant true
    %reduce_sum3A_648 = vector.broadcast %reduce_sum3A_647 : i1 to vector<16xi1>
    %reduce_sum3A_649 = tpu.scan <sum>, %add3A_646 masked %reduce_sum3A_648 : vector<16xf32>, vector<16xi1> -> vector<16xf32>
    %reduce_sum3A_650 = vector.extract %reduce_sum3A_649[15] : f32 from vector<16xf32>
    %eq3A_651 = arith.constant 6 : i32
    %eq3A_652 = vector.broadcast %eq3A_651 : i32 to vector<16xi32>
    %eq3A_653 = arith.cmpi eq, %iota3A, %eq3A_652 : vector<16xi32>
    %broadcast_in_dim3A_654 = vector.broadcast %reduce_sum3A_650 : f32 to vector<16xf32>
    %select_n3A_655 = arith.select %eq3A_653, %broadcast_in_dim3A_654, %select_n3A_635 : vector<16xi1>, vector<16xf32>
    %get3A_656 = arith.constant 7 : i32
    %get3A_657 = arith.index_cast %get3A_656 : i32 to index
    %get3A_658 = arith.constant 0 : index
    %get3A_659 = tpu.vector_load %arg8[%get3A_657, %get3A_658] {strides = array<i32>} : memref<16x32xf32, #tpu.memory_space<vmem>>, vector<16xf32>,
    %get3A_660 = arith.constant 7 : i32
    %get3A_661 = arith.index_cast %get3A_660 : i32 to index
    %get3A_662 = arith.constant 16 : index
    %get3A_663 = tpu.vector_load %arg8[%get3A_661, %get3A_662] {strides = array<i32>} : memref<16x32xf32, #tpu.memory_space<vmem>>, vector<16xf32>,
    %mul3A_664 = arith.mulf %get3A_659, %get3A_513 : vector<16xf32>
    %mul3A_665 = arith.mulf %get3A_663, %get3A_517 : vector<16xf32>
    %add3A_666 = arith.addf %mul3A_664, %mul3A_665 : vector<16xf32>
    %reduce_sum3A_667 = arith.constant true
    %reduce_sum3A_668 = vector.broadcast %reduce_sum3A_667 : i1 to vector<16xi1>
    %reduce_sum3A_669 = tpu.scan <sum>, %add3A_666 masked %reduce_sum3A_668 : vector<16xf32>, vector<16xi1> -> vector<16xf32>
    %reduce_sum3A_670 = vector.extract %reduce_sum3A_669[15] : f32 from vector<16xf32>
    %eq3A_671 = arith.constant 7 : i32
    %eq3A_672 = vector.broadcast %eq3A_671 : i32 to vector<16xi32>
    %eq3A_673 = arith.cmpi eq, %iota3A, %eq3A_672 : vector<16xi32>
    %broadcast_in_dim3A_674 = vector.broadcast %reduce_sum3A_670 : f32 to vector<16xf32>
    %select_n3A_675 = arith.select %eq3A_673, %broadcast_in_dim3A_674, %select_n3A_655 : vector<16xi1>, vector<16xf32>
    %get3A_676 = arith.constant 8 : i32
    %get3A_677 = arith.index_cast %get3A_676 : i32 to index
    %get3A_678 = arith.constant 0 : index
    %get3A_679 = tpu.vector_load %arg8[%get3A_677, %get3A_678] {strides = array<i32>} : memref<16x32xf32, #tpu.memory_space<vmem>>, vector<16xf32>,
    %get3A_680 = arith.constant 8 : i32
    %get3A_681 = arith.index_cast %get3A_680 : i32 to index
    %get3A_682 = arith.constant 16 : index
    %get3A_683 = tpu.vector_load %arg8[%get3A_681, %get3A_682] {strides = array<i32>} : memref<16x32xf32, #tpu.memory_space<vmem>>, vector<16xf32>,
    %mul3A_684 = arith.mulf %get3A_679, %get3A_513 : vector<16xf32>
    %mul3A_685 = arith.mulf %get3A_683, %get3A_517 : vector<16xf32>
    %add3A_686 = arith.addf %mul3A_684, %mul3A_685 : vector<16xf32>
    %reduce_sum3A_687 = arith.constant true
    %reduce_sum3A_688 = vector.broadcast %reduce_sum3A_687 : i1 to vector<16xi1>
    %reduce_sum3A_689 = tpu.scan <sum>, %add3A_686 masked %reduce_sum3A_688 : vector<16xf32>, vector<16xi1> -> vector<16xf32>
    %reduce_sum3A_690 = vector.extract %reduce_sum3A_689[15] : f32 from vector<16xf32>
    %eq3A_691 = arith.constant 8 : i32
    %eq3A_692 = vector.broadcast %eq3A_691 : i32 to vector<16xi32>
    %eq3A_693 = arith.cmpi eq, %iota3A, %eq3A_692 : vector<16xi32>
    %broadcast_in_dim3A_694 = vector.broadcast %reduce_sum3A_690 : f32 to vector<16xf32>
    %select_n3A_695 = arith.select %eq3A_693, %broadcast_in_dim3A_694, %select_n3A_675 : vector<16xi1>, vector<16xf32>
    %get3A_696 = arith.constant 9 : i32
    %get3A_697 = arith.index_cast %get3A_696 : i32 to index
    %get3A_698 = arith.constant 0 : index
    %get3A_699 = tpu.vector_load %arg8[%get3A_697, %get3A_698] {strides = array<i32>} : memref<16x32xf32, #tpu.memory_space<vmem>>, vector<16xf32>,
    %get3A_700 = arith.constant 9 : i32
    %get3A_701 = arith.index_cast %get3A_700 : i32 to index
    %get3A_702 = arith.constant 16 : index
    %get3A_703 = tpu.vector_load %arg8[%get3A_701, %get3A_702] {strides = array<i32>} : memref<16x32xf32, #tpu.memory_space<vmem>>, vector<16xf32>,
    %mul3A_704 = arith.mulf %get3A_699, %get3A_513 : vector<16xf32>
    %mul3A_705 = arith.mulf %get3A_703, %get3A_517 : vector<16xf32>
    %add3A_706 = arith.addf %mul3A_704, %mul3A_705 : vector<16xf32>
    %reduce_sum3A_707 = arith.constant true
    %reduce_sum3A_708 = vector.broadcast %reduce_sum3A_707 : i1 to vector<16xi1>
    %reduce_sum3A_709 = tpu.scan <sum>, %add3A_706 masked %reduce_sum3A_708 : vector<16xf32>, vector<16xi1> -> vector<16xf32>
    %reduce_sum3A_710 = vector.extract %reduce_sum3A_709[15] : f32 from vector<16xf32>
    %eq3A_711 = arith.constant 9 : i32
    %eq3A_712 = vector.broadcast %eq3A_711 : i32 to vector<16xi32>
    %eq3A_713 = arith.cmpi eq, %iota3A, %eq3A_712 : vector<16xi32>
    %broadcast_in_dim3A_714 = vector.broadcast %reduce_sum3A_710 : f32 to vector<16xf32>
    %select_n3A_715 = arith.select %eq3A_713, %broadcast_in_dim3A_714, %select_n3A_695 : vector<16xi1>, vector<16xf32>
    %get3A_716 = arith.constant 10 : i32
    %get3A_717 = arith.index_cast %get3A_716 : i32 to index
    %get3A_718 = arith.constant 0 : index
    %get3A_719 = tpu.vector_load %arg8[%get3A_717, %get3A_718] {strides = array<i32>} : memref<16x32xf32, #tpu.memory_space<vmem>>, vector<16xf32>,
    %get3A_720 = arith.constant 10 : i32
    %get3A_721 = arith.index_cast %get3A_720 : i32 to index
    %get3A_722 = arith.constant 16 : index
    %get3A_723 = tpu.vector_load %arg8[%get3A_721, %get3A_722] {strides = array<i32>} : memref<16x32xf32, #tpu.memory_space<vmem>>, vector<16xf32>,
    %mul3A_724 = arith.mulf %get3A_719, %get3A_513 : vector<16xf32>
    %mul3A_725 = arith.mulf %get3A_723, %get3A_517 : vector<16xf32>
    %add3A_726 = arith.addf %mul3A_724, %mul3A_725 : vector<16xf32>
    %reduce_sum3A_727 = arith.constant true
    %reduce_sum3A_728 = vector.broadcast %reduce_sum3A_727 : i1 to vector<16xi1>
    %reduce_sum3A_729 = tpu.scan <sum>, %add3A_726 masked %reduce_sum3A_728 : vector<16xf32>, vector<16xi1> -> vector<16xf32>
    %reduce_sum3A_730 = vector.extract %reduce_sum3A_729[15] : f32 from vector<16xf32>
    %eq3A_731 = arith.constant 10 : i32
    %eq3A_732 = vector.broadcast %eq3A_731 : i32 to vector<16xi32>
    %eq3A_733 = arith.cmpi eq, %iota3A, %eq3A_732 : vector<16xi32>
    %broadcast_in_dim3A_734 = vector.broadcast %reduce_sum3A_730 : f32 to vector<16xf32>
    %select_n3A_735 = arith.select %eq3A_733, %broadcast_in_dim3A_734, %select_n3A_715 : vector<16xi1>, vector<16xf32>
    %get3A_736 = arith.constant 11 : i32
    %get3A_737 = arith.index_cast %get3A_736 : i32 to index
    %get3A_738 = arith.constant 0 : index
    %get3A_739 = tpu.vector_load %arg8[%get3A_737, %get3A_738] {strides = array<i32>} : memref<16x32xf32, #tpu.memory_space<vmem>>, vector<16xf32>,
    %get3A_740 = arith.constant 11 : i32
    %get3A_741 = arith.index_cast %get3A_740 : i32 to index
    %get3A_742 = arith.constant 16 : index
    %get3A_743 = tpu.vector_load %arg8[%get3A_741, %get3A_742] {strides = array<i32>} : memref<16x32xf32, #tpu.memory_space<vmem>>, vector<16xf32>,
    %mul3A_744 = arith.mulf %get3A_739, %get3A_513 : vector<16xf32>
    %mul3A_745 = arith.mulf %get3A_743, %get3A_517 : vector<16xf32>
    %add3A_746 = arith.addf %mul3A_744, %mul3A_745 : vector<16xf32>
    %reduce_sum3A_747 = arith.constant true
    %reduce_sum3A_748 = vector.broadcast %reduce_sum3A_747 : i1 to vector<16xi1>
    %reduce_sum3A_749 = tpu.scan <sum>, %add3A_746 masked %reduce_sum3A_748 : vector<16xf32>, vector<16xi1> -> vector<16xf32>
    %reduce_sum3A_750 = vector.extract %reduce_sum3A_749[15] : f32 from vector<16xf32>
    %eq3A_751 = arith.constant 11 : i32
    %eq3A_752 = vector.broadcast %eq3A_751 : i32 to vector<16xi32>
    %eq3A_753 = arith.cmpi eq, %iota3A, %eq3A_752 : vector<16xi32>
    %broadcast_in_dim3A_754 = vector.broadcast %reduce_sum3A_750 : f32 to vector<16xf32>
    %select_n3A_755 = arith.select %eq3A_753, %broadcast_in_dim3A_754, %select_n3A_735 : vector<16xi1>, vector<16xf32>
    %get3A_756 = arith.constant 12 : i32
    %get3A_757 = arith.index_cast %get3A_756 : i32 to index
    %get3A_758 = arith.constant 0 : index
    %get3A_759 = tpu.vector_load %arg8[%get3A_757, %get3A_758] {strides = array<i32>} : memref<16x32xf32, #tpu.memory_space<vmem>>, vector<16xf32>,
    %get3A_760 = arith.constant 12 : i32
    %get3A_761 = arith.index_cast %get3A_760 : i32 to index
    %get3A_762 = arith.constant 16 : index
    %get3A_763 = tpu.vector_load %arg8[%get3A_761, %get3A_762] {strides = array<i32>} : memref<16x32xf32, #tpu.memory_space<vmem>>, vector<16xf32>,
    %mul3A_764 = arith.mulf %get3A_759, %get3A_513 : vector<16xf32>
    %mul3A_765 = arith.mulf %get3A_763, %get3A_517 : vector<16xf32>
    %add3A_766 = arith.addf %mul3A_764, %mul3A_765 : vector<16xf32>
    %reduce_sum3A_767 = arith.constant true
    %reduce_sum3A_768 = vector.broadcast %reduce_sum3A_767 : i1 to vector<16xi1>
    %reduce_sum3A_769 = tpu.scan <sum>, %add3A_766 masked %reduce_sum3A_768 : vector<16xf32>, vector<16xi1> -> vector<16xf32>
    %reduce_sum3A_770 = vector.extract %reduce_sum3A_769[15] : f32 from vector<16xf32>
    %eq3A_771 = arith.constant 12 : i32
    %eq3A_772 = vector.broadcast %eq3A_771 : i32 to vector<16xi32>
    %eq3A_773 = arith.cmpi eq, %iota3A, %eq3A_772 : vector<16xi32>
    %broadcast_in_dim3A_774 = vector.broadcast %reduce_sum3A_770 : f32 to vector<16xf32>
    %select_n3A_775 = arith.select %eq3A_773, %broadcast_in_dim3A_774, %select_n3A_755 : vector<16xi1>, vector<16xf32>
    %get3A_776 = arith.constant 13 : i32
    %get3A_777 = arith.index_cast %get3A_776 : i32 to index
    %get3A_778 = arith.constant 0 : index
    %get3A_779 = tpu.vector_load %arg8[%get3A_777, %get3A_778] {strides = array<i32>} : memref<16x32xf32, #tpu.memory_space<vmem>>, vector<16xf32>,
    %get3A_780 = arith.constant 13 : i32
    %get3A_781 = arith.index_cast %get3A_780 : i32 to index
    %get3A_782 = arith.constant 16 : index
    %get3A_783 = tpu.vector_load %arg8[%get3A_781, %get3A_782] {strides = array<i32>} : memref<16x32xf32, #tpu.memory_space<vmem>>, vector<16xf32>,
    %mul3A_784 = arith.mulf %get3A_779, %get3A_513 : vector<16xf32>
    %mul3A_785 = arith.mulf %get3A_783, %get3A_517 : vector<16xf32>
    %add3A_786 = arith.addf %mul3A_784, %mul3A_785 : vector<16xf32>
    %reduce_sum3A_787 = arith.constant true
    %reduce_sum3A_788 = vector.broadcast %reduce_sum3A_787 : i1 to vector<16xi1>
    %reduce_sum3A_789 = tpu.scan <sum>, %add3A_786 masked %reduce_sum3A_788 : vector<16xf32>, vector<16xi1> -> vector<16xf32>
    %reduce_sum3A_790 = vector.extract %reduce_sum3A_789[15] : f32 from vector<16xf32>
    %eq3A_791 = arith.constant 13 : i32
    %eq3A_792 = vector.broadcast %eq3A_791 : i32 to vector<16xi32>
    %eq3A_793 = arith.cmpi eq, %iota3A, %eq3A_792 : vector<16xi32>
    %broadcast_in_dim3A_794 = vector.broadcast %reduce_sum3A_790 : f32 to vector<16xf32>
    %select_n3A_795 = arith.select %eq3A_793, %broadcast_in_dim3A_794, %select_n3A_775 : vector<16xi1>, vector<16xf32>
    %get3A_796 = arith.constant 14 : i32
    %get3A_797 = arith.index_cast %get3A_796 : i32 to index
    %get3A_798 = arith.constant 0 : index
    %get3A_799 = tpu.vector_load %arg8[%get3A_797, %get3A_798] {strides = array<i32>} : memref<16x32xf32, #tpu.memory_space<vmem>>, vector<16xf32>,
    %get3A_800 = arith.constant 14 : i32
    %get3A_801 = arith.index_cast %get3A_800 : i32 to index
    %get3A_802 = arith.constant 16 : index
    %get3A_803 = tpu.vector_load %arg8[%get3A_801, %get3A_802] {strides = array<i32>} : memref<16x32xf32, #tpu.memory_space<vmem>>, vector<16xf32>,
    %mul3A_804 = arith.mulf %get3A_799, %get3A_513 : vector<16xf32>
    %mul3A_805 = arith.mulf %get3A_803, %get3A_517 : vector<16xf32>
    %add3A_806 = arith.addf %mul3A_804, %mul3A_805 : vector<16xf32>
    %reduce_sum3A_807 = arith.constant true
    %reduce_sum3A_808 = vector.broadcast %reduce_sum3A_807 : i1 to vector<16xi1>
    %reduce_sum3A_809 = tpu.scan <sum>, %add3A_806 masked %reduce_sum3A_808 : vector<16xf32>, vector<16xi1> -> vector<16xf32>
    %reduce_sum3A_810 = vector.extract %reduce_sum3A_809[15] : f32 from vector<16xf32>
    %eq3A_811 = arith.constant 14 : i32
    %eq3A_812 = vector.broadcast %eq3A_811 : i32 to vector<16xi32>
    %eq3A_813 = arith.cmpi eq, %iota3A, %eq3A_812 : vector<16xi32>
    %broadcast_in_dim3A_814 = vector.broadcast %reduce_sum3A_810 : f32 to vector<16xf32>
    %select_n3A_815 = arith.select %eq3A_813, %broadcast_in_dim3A_814, %select_n3A_795 : vector<16xi1>, vector<16xf32>
    %get3A_816 = arith.constant 15 : i32
    %get3A_817 = arith.index_cast %get3A_816 : i32 to index
    %get3A_818 = arith.constant 0 : index
    %get3A_819 = tpu.vector_load %arg8[%get3A_817, %get3A_818] {strides = array<i32>} : memref<16x32xf32, #tpu.memory_space<vmem>>, vector<16xf32>,
    %get3A_820 = arith.constant 15 : i32
    %get3A_821 = arith.index_cast %get3A_820 : i32 to index
    %get3A_822 = arith.constant 16 : index
    %get3A_823 = tpu.vector_load %arg8[%get3A_821, %get3A_822] {strides = array<i32>} : memref<16x32xf32, #tpu.memory_space<vmem>>, vector<16xf32>,
    %mul3A_824 = arith.mulf %get3A_819, %get3A_513 : vector<16xf32>
    %mul3A_825 = arith.mulf %get3A_823, %get3A_517 : vector<16xf32>
    %add3A_826 = arith.addf %mul3A_824, %mul3A_825 : vector<16xf32>
    %reduce_sum3A_827 = arith.constant true
    %reduce_sum3A_828 = vector.broadcast %reduce_sum3A_827 : i1 to vector<16xi1>
    %reduce_sum3A_829 = tpu.scan <sum>, %add3A_826 masked %reduce_sum3A_828 : vector<16xf32>, vector<16xi1> -> vector<16xf32>
    %reduce_sum3A_830 = vector.extract %reduce_sum3A_829[15] : f32 from vector<16xf32>
    %eq3A_831 = arith.constant 15 : i32
    %eq3A_832 = vector.broadcast %eq3A_831 : i32 to vector<16xi32>
    %eq3A_833 = arith.cmpi eq, %iota3A, %eq3A_832 : vector<16xi32>
    %broadcast_in_dim3A_834 = vector.broadcast %reduce_sum3A_830 : f32 to vector<16xf32>
    %select_n3A_835 = arith.select %eq3A_833, %broadcast_in_dim3A_834, %select_n3A_815 : vector<16xi1>, vector<16xf32>
    %mul3A_836 = arith.constant 16 : i32
    %mul3A_837 = arith.muli %arg1, %mul3A_836 : i32
    %add3A_838 = vector.broadcast %mul3A_837 : i32 to vector<16xi32>
    %add3A_839 = arith.addi %add3A_838, %iota3A : vector<16xi32>
    %lt3A_840 = arith.constant 200 : i32
    %lt3A_841 = vector.broadcast %lt3A_840 : i32 to vector<16xi32>
    %lt3A_842 = arith.cmpi slt, %add3A_839, %lt3A_841 : vector<16xi32>
    %lt3A_843 = arith.constant 250 : i32
    %lt3A_844 = vector.broadcast %lt3A_843 : i32 to vector<16xi32>
    %lt3A_845 = arith.cmpi slt, %add3A_839, %lt3A_844 : vector<16xi32>
    %jit3A = arith.constant 2.000000e-02 : f32
    %jit3A_846 = arith.constant 0.000000e+00 : f32
    %broadcast_in_dim3A_847 = vector.broadcast %jit3A : f32 to vector<16xf32>
    %broadcast_in_dim3A_848 = vector.broadcast %jit3A_846 : f32 to vector<16xf32>
    %select_n3A_849 = arith.select %lt3A_845, %broadcast_in_dim3A_847, %broadcast_in_dim3A_848 : vector<16xi1>, vector<16xf32>
    %jit3A_850 = arith.constant 5.000000e-03 : f32
    %broadcast_in_dim3A_851 = vector.broadcast %jit3A_850 : f32 to vector<16xf32>
    %select_n3A_852 = arith.select %lt3A_842, %broadcast_in_dim3A_851, %select_n3A_849 : vector<16xi1>, vector<16xf32>
    %jit3A_853 = arith.constant -1.000000e+00 : f32
    %jit3A_854 = arith.constant 1.000000e+00 : f32
    %broadcast_in_dim3A_855 = vector.broadcast %jit3A_853 : f32 to vector<16xf32>
    %broadcast_in_dim3A_856 = vector.broadcast %jit3A_854 : f32 to vector<16xf32>
    %select_n3A_857 = arith.select %lt3A_842, %broadcast_in_dim3A_855, %broadcast_in_dim3A_856 : vector<16xi1>, vector<16xf32>
    %mul3A_858 = arith.mulf %select_n3A_857, %select_n3A_835 : vector<16xf32>
    %exp3A = math.exp %mul3A_858 : vector<16xf32>
    %add3A_859 = arith.constant 1.000000e+00 : f32
    %add3A_860 = vector.broadcast %add3A_859 : f32 to vector<16xf32>
    %add3A_861 = arith.addf %add3A_860, %exp3A : vector<16xf32>
    %bitcast_convert_type3A = tpu.bitcast %add3A_861 : vector<16xf32> -> vector<16xi32>
    %shift_right_logical3A = arith.constant 23 : i32
    %shift_right_logical3A_862 = vector.broadcast %shift_right_logical3A : i32 to vector<16xi32>
    %shift_right_logical3A_863 = arith.shrui %bitcast_convert_type3A, %shift_right_logical3A_862 : vector<16xi32>
    %sub3A = arith.constant 127 : i32
    %sub3A_864 = vector.broadcast %sub3A : i32 to vector<16xi32>
    %sub3A_865 = arith.subi %shift_right_logical3A_863, %sub3A_864 : vector<16xi32>
    %and3A = arith.constant 8388607 : i32
    %and3A_866 = vector.broadcast %and3A : i32 to vector<16xi32>
    %and3A_867 = arith.andi %bitcast_convert_type3A, %and3A_866 : vector<16xi32>
    %or3A = arith.constant 1065353216 : i32
    %or3A_868 = vector.broadcast %or3A : i32 to vector<16xi32>
    %or3A_869 = arith.ori %and3A_867, %or3A_868 : vector<16xi32>
    %bitcast_convert_type3A_870 = tpu.bitcast %or3A_869 : vector<16xi32> -> vector<16xf32>
    %gt3A = arith.constant 1.41421354 : f32
    %gt3A_871 = vector.broadcast %gt3A : f32 to vector<16xf32>
    %gt3A_872 = arith.cmpf ogt, %bitcast_convert_type3A_870, %gt3A_871 : vector<16xf32>
    %mul3A_873 = arith.constant 5.000000e-01 : f32
    %mul3A_874 = vector.broadcast %mul3A_873 : f32 to vector<16xf32>
    %mul3A_875 = arith.mulf %bitcast_convert_type3A_870, %mul3A_874 : vector<16xf32>
    %select_n3A_876 = arith.select %gt3A_872, %mul3A_875, %bitcast_convert_type3A_870 : vector<16xi1>, vector<16xf32>
    %convert_element_type3A_877 = arith.extui %gt3A_872 : vector<16xi1> to vector<16xi32>
    %add3A_878 = arith.addi %sub3A_865, %convert_element_type3A_877 : vector<16xi32>
    %convert_element_type3A_879 = arith.sitofp %add3A_878 : vector<16xi32> to vector<16xf32>
    %sub3A_880 = arith.constant 1.000000e+00 : f32
    %sub3A_881 = vector.broadcast %sub3A_880 : f32 to vector<16xf32>
    %sub3A_882 = arith.subf %select_n3A_876, %sub3A_881 : vector<16xf32>
    %add3A_883 = arith.constant 1.000000e+00 : f32
    %add3A_884 = vector.broadcast %add3A_883 : f32 to vector<16xf32>
    %add3A_885 = arith.addf %select_n3A_876, %add3A_884 : vector<16xf32>
    %div3A = arith.divf %sub3A_882, %add3A_885 : vector<16xf32>
    %mul3A_886 = arith.mulf %div3A, %div3A : vector<16xf32>
    %mul3A_887 = arith.constant 2.000000e+00 : f32
    %mul3A_888 = vector.broadcast %mul3A_887 : f32 to vector<16xf32>
    %mul3A_889 = arith.mulf %mul3A_888, %div3A : vector<16xf32>
    %mul3A_890 = arith.constant 0.142857149 : f32
    %mul3A_891 = vector.broadcast %mul3A_890 : f32 to vector<16xf32>
    %mul3A_892 = arith.mulf %mul3A_886, %mul3A_891 : vector<16xf32>
    %add3A_893 = arith.constant 2.000000e-01 : f32
    %add3A_894 = vector.broadcast %add3A_893 : f32 to vector<16xf32>
    %add3A_895 = arith.addf %add3A_894, %mul3A_892 : vector<16xf32>
    %mul3A_896 = arith.mulf %mul3A_886, %add3A_895 : vector<16xf32>
    %add3A_897 = arith.constant 0.333333343 : f32
    %add3A_898 = vector.broadcast %add3A_897 : f32 to vector<16xf32>
    %add3A_899 = arith.addf %add3A_898, %mul3A_896 : vector<16xf32>
    %mul3A_900 = arith.mulf %mul3A_886, %add3A_899 : vector<16xf32>
    %add3A_901 = arith.constant 1.000000e+00 : f32
    %add3A_902 = vector.broadcast %add3A_901 : f32 to vector<16xf32>
    %add3A_903 = arith.addf %add3A_902, %mul3A_900 : vector<16xf32>
    %mul3A_904 = arith.mulf %mul3A_889, %add3A_903 : vector<16xf32>
    %mul3A_905 = arith.constant 0.693147182 : f32
    %mul3A_906 = vector.broadcast %mul3A_905 : f32 to vector<16xf32>
    %mul3A_907 = arith.mulf %convert_element_type3A_879, %mul3A_906 : vector<16xf32>
    %add3A_908 = arith.addf %mul3A_907, %mul3A_904 : vector<16xf32>
    %mul3A_909 = arith.mulf %select_n3A_852, %add3A_908 : vector<16xf32>
    %swap3A_910 = arith.constant 0 : index
    %swap3A_911 = tpu.vector_load %arg11[%swap3A_910] {strides = array<i32>} : memref<16xf32, #tpu.memory_space<vmem>>, vector<16xf32>,
    tpu.vector_store %arg11[%swap3A_910], %mul3A_909 {strides = array<i32>} : memref<16xf32, #tpu.memory_space<vmem>>, vector<16xf32>,
    "tpu.region"() ({
      %run_scoped3A = tpu.sem_alloc : memref<!tpu.dma_semaphore, #tpu.memory_space<semaphore_mem>>
      %dma_start3A_917 = arith.constant 0 : i32
      %dma_start3A_918 = tpu.memref_slice %arg12[%arg1, %dma_start3A_917] : memref<16x16xf32, #tpu.memory_space<vmem_shared>> -> memref<1x16xf32, #tpu.memory_space<vmem_shared>>
      %dma_start3A_919 = tpu.memref_squeeze %dma_start3A_918 : memref<1x16xf32, #tpu.memory_space<vmem_shared>> -> memref<16xf32, #tpu.memory_space<vmem_shared>>
      %dma_start3A_920 = arith.constant 0 : i32
      %dma_start3A_921 = tpu.memref_slice %arg12[%arg1, %dma_start3A_920] : memref<16x16xf32, #tpu.memory_space<vmem_shared>> -> memref<1x16xf32, #tpu.memory_space<vmem_shared>>
      %dma_start3A_922 = tpu.memref_squeeze %dma_start3A_921 : memref<1x16xf32, #tpu.memory_space<vmem_shared>> -> memref<16xf32, #tpu.memory_space<vmem_shared>>
      tpu.enqueue_dma source(%arg11 : memref<16xf32, #tpu.memory_space<vmem>>) target(%dma_start3A_922 : memref<16xf32, #tpu.memory_space<vmem_shared>>) target_semaphore(%run_scoped3A : memref<!tpu.dma_semaphore, #tpu.memory_space<semaphore_mem>>)
      %dma_wait3A_923 = arith.constant 0 : i32
      %dma_wait3A_924 = tpu.memref_slice %arg12[%arg1, %dma_wait3A_923] : memref<16x16xf32, #tpu.memory_space<vmem_shared>> -> memref<1x16xf32, #tpu.memory_space<vmem_shared>>
      %dma_wait3A_925 = tpu.memref_squeeze %dma_wait3A_924 : memref<1x16xf32, #tpu.memory_space<vmem_shared>> -> memref<16xf32, #tpu.memory_space<vmem_shared>>
      %dma_wait3A_926 = arith.constant 0 : i32
      %dma_wait3A_927 = tpu.memref_slice %arg12[%arg1, %dma_wait3A_926] : memref<16x16xf32, #tpu.memory_space<vmem_shared>> -> memref<1x16xf32, #tpu.memory_space<vmem_shared>>
      %dma_wait3A_928 = tpu.memref_squeeze %dma_wait3A_927 : memref<1x16xf32, #tpu.memory_space<vmem_shared>> -> memref<16xf32, #tpu.memory_space<vmem_shared>>
      tpu.wait_dma2 semaphore(%run_scoped3A : memref<!tpu.dma_semaphore, #tpu.memory_space<semaphore_mem>>) src(%arg11 : memref<16xf32, #tpu.memory_space<vmem>>) dst(%dma_wait3A_928 : memref<16xf32, #tpu.memory_space<vmem_shared>>)
      tpu.yield
    }) : () -> ()
    %barrier3A = arith.constant 0 : index
    tpu.barrier barrier_id(%barrier3A)
    %eq3A_912 = arith.constant 0 : i32
    %eq3A_913 = arith.cmpi eq, %arg1, %eq3A_912 : i32
    %convert_element_type3A_914 = arith.extui %eq3A_913 : i1 to i32
    %cond3A_915 = arith.constant 0 : i32
    %cond3A_916 = arith.cmpi ne, %convert_element_type3A_914, %cond3A_915 : i32
    scf.if %cond3A_916 {
      "tpu.region"() ({
        %run_scoped3A = tpu.sem_alloc : memref<!tpu.dma_semaphore, #tpu.memory_space<semaphore_mem>>
        tpu.enqueue_dma source(%arg12 : memref<16x16xf32, #tpu.memory_space<vmem_shared>>) target(%arg10 : memref<16x16xf32, #tpu.memory_space<vmem>>) target_semaphore(%run_scoped3A : memref<!tpu.dma_semaphore, #tpu.memory_space<semaphore_mem>>)
        tpu.wait_dma2 semaphore(%run_scoped3A : memref<!tpu.dma_semaphore, #tpu.memory_space<semaphore_mem>>) src(%arg12 : memref<16x16xf32, #tpu.memory_space<vmem_shared>>) dst(%arg10 : memref<16x16xf32, #tpu.memory_space<vmem>>)
        tpu.yield
      }) : () -> ()
      %broadcast_in_dim3A_917 = arith.constant 0.000000e+00 : f32
      %broadcast_in_dim3A_918 = vector.broadcast %broadcast_in_dim3A_917 : f32 to vector<16xf32>
      %get3A_919 = arith.constant 0 : i32
      %get3A_920 = arith.index_cast %get3A_919 : i32 to index
      %get3A_921 = arith.constant 0 : index
      %get3A_922 = tpu.vector_load %arg10[%get3A_920, %get3A_921] {strides = array<i32>} : memref<16x16xf32, #tpu.memory_space<vmem>>, vector<16xf32>,
      %add3A_923 = arith.addf %broadcast_in_dim3A_918, %get3A_922 : vector<16xf32>
      %get3A_924 = arith.constant 1 : i32
      %get3A_925 = arith.index_cast %get3A_924 : i32 to index
      %get3A_926 = arith.constant 0 : index
      %get3A_927 = tpu.vector_load %arg10[%get3A_925, %get3A_926] {strides = array<i32>} : memref<16x16xf32, #tpu.memory_space<vmem>>, vector<16xf32>,
      %add3A_928 = arith.addf %add3A_923, %get3A_927 : vector<16xf32>
      %get3A_929 = arith.constant 2 : i32
      %get3A_930 = arith.index_cast %get3A_929 : i32 to index
      %get3A_931 = arith.constant 0 : index
      %get3A_932 = tpu.vector_load %arg10[%get3A_930, %get3A_931] {strides = array<i32>} : memref<16x16xf32, #tpu.memory_space<vmem>>, vector<16xf32>,
      %add3A_933 = arith.addf %add3A_928, %get3A_932 : vector<16xf32>
      %get3A_934 = arith.constant 3 : i32
      %get3A_935 = arith.index_cast %get3A_934 : i32 to index
      %get3A_936 = arith.constant 0 : index
      %get3A_937 = tpu.vector_load %arg10[%get3A_935, %get3A_936] {strides = array<i32>} : memref<16x16xf32, #tpu.memory_space<vmem>>, vector<16xf32>,
      %add3A_938 = arith.addf %add3A_933, %get3A_937 : vector<16xf32>
      %get3A_939 = arith.constant 4 : i32
      %get3A_940 = arith.index_cast %get3A_939 : i32 to index
      %get3A_941 = arith.constant 0 : index
      %get3A_942 = tpu.vector_load %arg10[%get3A_940, %get3A_941] {strides = array<i32>} : memref<16x16xf32, #tpu.memory_space<vmem>>, vector<16xf32>,
      %add3A_943 = arith.addf %add3A_938, %get3A_942 : vector<16xf32>
      %get3A_944 = arith.constant 5 : i32
      %get3A_945 = arith.index_cast %get3A_944 : i32 to index
      %get3A_946 = arith.constant 0 : index
      %get3A_947 = tpu.vector_load %arg10[%get3A_945, %get3A_946] {strides = array<i32>} : memref<16x16xf32, #tpu.memory_space<vmem>>, vector<16xf32>,
      %add3A_948 = arith.addf %add3A_943, %get3A_947 : vector<16xf32>
      %get3A_949 = arith.constant 6 : i32
      %get3A_950 = arith.index_cast %get3A_949 : i32 to index
      %get3A_951 = arith.constant 0 : index
      %get3A_952 = tpu.vector_load %arg10[%get3A_950, %get3A_951] {strides = array<i32>} : memref<16x16xf32, #tpu.memory_space<vmem>>, vector<16xf32>,
      %add3A_953 = arith.addf %add3A_948, %get3A_952 : vector<16xf32>
      %get3A_954 = arith.constant 7 : i32
      %get3A_955 = arith.index_cast %get3A_954 : i32 to index
      %get3A_956 = arith.constant 0 : index
      %get3A_957 = tpu.vector_load %arg10[%get3A_955, %get3A_956] {strides = array<i32>} : memref<16x16xf32, #tpu.memory_space<vmem>>, vector<16xf32>,
      %add3A_958 = arith.addf %add3A_953, %get3A_957 : vector<16xf32>
      %get3A_959 = arith.constant 8 : i32
      %get3A_960 = arith.index_cast %get3A_959 : i32 to index
      %get3A_961 = arith.constant 0 : index
      %get3A_962 = tpu.vector_load %arg10[%get3A_960, %get3A_961] {strides = array<i32>} : memref<16x16xf32, #tpu.memory_space<vmem>>, vector<16xf32>,
      %add3A_963 = arith.addf %add3A_958, %get3A_962 : vector<16xf32>
      %get3A_964 = arith.constant 9 : i32
      %get3A_965 = arith.index_cast %get3A_964 : i32 to index
      %get3A_966 = arith.constant 0 : index
      %get3A_967 = tpu.vector_load %arg10[%get3A_965, %get3A_966] {strides = array<i32>} : memref<16x16xf32, #tpu.memory_space<vmem>>, vector<16xf32>,
      %add3A_968 = arith.addf %add3A_963, %get3A_967 : vector<16xf32>
      %get3A_969 = arith.constant 10 : i32
      %get3A_970 = arith.index_cast %get3A_969 : i32 to index
      %get3A_971 = arith.constant 0 : index
      %get3A_972 = tpu.vector_load %arg10[%get3A_970, %get3A_971] {strides = array<i32>} : memref<16x16xf32, #tpu.memory_space<vmem>>, vector<16xf32>,
      %add3A_973 = arith.addf %add3A_968, %get3A_972 : vector<16xf32>
      %get3A_974 = arith.constant 11 : i32
      %get3A_975 = arith.index_cast %get3A_974 : i32 to index
      %get3A_976 = arith.constant 0 : index
      %get3A_977 = tpu.vector_load %arg10[%get3A_975, %get3A_976] {strides = array<i32>} : memref<16x16xf32, #tpu.memory_space<vmem>>, vector<16xf32>,
      %add3A_978 = arith.addf %add3A_973, %get3A_977 : vector<16xf32>
      %get3A_979 = arith.constant 12 : i32
      %get3A_980 = arith.index_cast %get3A_979 : i32 to index
      %get3A_981 = arith.constant 0 : index
      %get3A_982 = tpu.vector_load %arg10[%get3A_980, %get3A_981] {strides = array<i32>} : memref<16x16xf32, #tpu.memory_space<vmem>>, vector<16xf32>,
      %add3A_983 = arith.addf %add3A_978, %get3A_982 : vector<16xf32>
      %get3A_984 = arith.constant 13 : i32
      %get3A_985 = arith.index_cast %get3A_984 : i32 to index
      %get3A_986 = arith.constant 0 : index
      %get3A_987 = tpu.vector_load %arg10[%get3A_985, %get3A_986] {strides = array<i32>} : memref<16x16xf32, #tpu.memory_space<vmem>>, vector<16xf32>,
      %add3A_988 = arith.addf %add3A_983, %get3A_987 : vector<16xf32>
      %get3A_989 = arith.constant 14 : i32
      %get3A_990 = arith.index_cast %get3A_989 : i32 to index
      %get3A_991 = arith.constant 0 : index
      %get3A_992 = tpu.vector_load %arg10[%get3A_990, %get3A_991] {strides = array<i32>} : memref<16x16xf32, #tpu.memory_space<vmem>>, vector<16xf32>,
      %add3A_993 = arith.addf %add3A_988, %get3A_992 : vector<16xf32>
      %get3A_994 = arith.constant 15 : i32
      %get3A_995 = arith.index_cast %get3A_994 : i32 to index
      %get3A_996 = arith.constant 0 : index
      %get3A_997 = tpu.vector_load %arg10[%get3A_995, %get3A_996] {strides = array<i32>} : memref<16x16xf32, #tpu.memory_space<vmem>>, vector<16xf32>,
      %add3A_998 = arith.addf %add3A_993, %get3A_997 : vector<16xf32>
      %reduce_sum3A_999 = arith.constant true
      %reduce_sum3A_1000 = vector.broadcast %reduce_sum3A_999 : i1 to vector<16xi1>
      %reduce_sum3A_1001 = tpu.scan <sum>, %add3A_998 masked %reduce_sum3A_1000 : vector<16xf32>, vector<16xi1> -> vector<16xf32>
      %reduce_sum3A_1002 = vector.extract %reduce_sum3A_1001[15] : f32 from vector<16xf32>
      %broadcast_in_dim3A_1003 = arith.constant 1.000000e+00 : f32
      %broadcast_in_dim3A_1004 = vector.broadcast %broadcast_in_dim3A_1003 : f32 to vector<16xf32>
      %mul3A_1005 = vector.broadcast %reduce_sum3A_1002 : f32 to vector<16xf32>
      %mul3A_1006 = arith.mulf %mul3A_1005, %broadcast_in_dim3A_1004 : vector<16xf32>
      %swap3A_1007 = arith.constant 0 : index
      %swap3A_1008 = tpu.vector_load %arg13[%swap3A_1007] {strides = array<i32>} : memref<16xf32, #tpu.memory_space<vmem>>, vector<16xf32>,
      tpu.vector_store %arg13[%swap3A_1007], %mul3A_1006 {strides = array<i32>} : memref<16xf32, #tpu.memory_space<vmem>>, vector<16xf32>,
      "tpu.region"() ({
        %run_scoped3A = tpu.sem_alloc : memref<!tpu.dma_semaphore, #tpu.memory_space<semaphore_mem>>
        tpu.enqueue_dma source(%arg13 : memref<16xf32, #tpu.memory_space<vmem>>) target(%arg6 : memref<16xf32, #tpu.memory_space<hbm>>) target_semaphore(%run_scoped3A : memref<!tpu.dma_semaphore, #tpu.memory_space<semaphore_mem>>)
        tpu.wait_dma2 semaphore(%run_scoped3A : memref<!tpu.dma_semaphore, #tpu.memory_space<semaphore_mem>>) src(%arg13 : memref<16xf32, #tpu.memory_space<vmem>>) dst(%arg6 : memref<16xf32, #tpu.memory_space<hbm>>)
        tpu.yield
      }) : () -> ()
    } else {
    }
    return
  }
}

</mosaic_0001>

<sc_bundles>
// kernel: koha_input_layer_sc.3.cloned.1.call-start
scs
__scs_entry_jumppad:
0x0: {  	(pc) =	sbr.rel $0x88, $3  }
0x1: {  	(tag) =	ssettag $0x0;
	lr =	simm.s32 $0x1  }
0x2: {  	[smem:$0x3F9D] =	sst lr;
	_ =	strace $0xD0000000  }
0x3: {  	_ = 	snop  }
0x4: {  	_ = 	snop  }
0x5: {  	_ = 	snop  }
0x6: {  	_ = 	snop  }
0x7: {  	_ = 	snop  }
__scs_overlays_trampoline_lowered:
0x8: {  	[smem:$0x3FAC] =	sst s0  }
0x9: {  	[smem:$0x3FAD] =	sst s1  }
0xa: {  	[smem:$0x3FAE] =	sst s2  }
0xb: {  	[smem:$0x3FAF] =	sst s3  }
0xc: {  	[smem:$0x3FB0] =	sst s4  }
0xd: {  	[smem:$0x3FB1] =	sst s5  }
0xe: {  	[smem:$0x3FB2] =	sst s6  }
0xf: {  	[smem:$0x3FB3] =	sst s7  }
0x10: {  	[smem:$0x3FB4] =	sst s8  }
0x11: {  	[smem:$0x3FB5] =	sst s9;
	s0 =	simm.s32 @!p0 $0x0  }
0x12: {  	s1 =	sld [smem:$0x3F9B];
	s0 =	simm.s32 @p0 $0x1  }
0x13: {  	[smem:$0x3FB6] =	sst s0;
	s0 =	simm.s32 @!p1 $0x0  }
0x14: {  	s2 =	sld [smem:$0x3F9A];
	s0 =	simm.s32 @p1 $0x1  }
0x15: {  	[smem:$0x3FB7] =	sst s0;
	s0 =	simm.s32 @!p2 $0x0  }
0x16: {  	s3 =	sld [smem:$0x3FDB];
	s0 =	simm.s32 @p2 $0x1  }
0x17: {  	s4 =	simm.s32 $0x1BF5;
	[smem:$0x3FB9] =	sst s0  }
0x18: {  	s0 =	sld [smem:$0x3F9C];
	_ =	swait.ge [sflag:s4], $0x0  }
0x19: {  	s7 =	sld [smem:$0x3F9D]  }
0x1a: {  	s8 =	sadd.s32 $0xFFFFE003, lr  }
0x1b: {  	s9 =	sadd.s32 $0xFFFFFEF7, lr;
	s5 =	simm.s32 $0xFFFFFFFF;
	p2 =	slt.u32 s8, $0xFFFFF086  }
0x1c: {  	p1 =	slt.u32 s9, $0xF7A;
	s5 =	simm.s32 @!p2 $0x0  }
0x1d: {  	s5 =	simm.s32 @p1 $0x1;
	p0 =	seq.s32 s7, s2  }
0x1e: {  	s7 =	smul.u32 @!p0 $0xF7A, s2;
	p2 =	seq.s32 @!p0 s5, $0x0  }
0x1f: {  	s9 =	smul.u32 $0xF7A, s1;
	s8 =	simm.s32 @!p0 $0x1BF5;
	p2 =	por !p2, p0  }
0x20: {  	[sflag:s8] =	ssyncset.s32 @!p0 $0xFFFFF086;
	s6 =	sadd.s32 @!p0 s3, s7;
	s7 =	simm.s32 @!p0 $0x108  }
0x21: {  	s3 =	sadd.s32 s3, s9;
	s6 =	sadd.s32 @!p0 $0x88, s6;
	s7 =	simm.s32 @p2 $0x1082  }
0x22: {  	[simem:s7], [sflag:s8] =	dma.local @!p0 [hbm:s6], $0xF7A  }
0x23: {  	s9 =	sor.u32 $0xD0000000, s2;
	s6 =	simm.s32 $0x108;
	_ =	swait.ge @!p0 [sflag:s8], $0x0  }
0x24: {  	s3 =	sadd.s32 $0x88, s3;
	s6 =	simm.s32 @!p1 $0x1082;
	[sflag:s4] =	ssyncset.s32 $0xFFFFF086  }
0x25: {  	[simem:s6], [sflag:s4] =	dma.local [hbm:s3], $0xF7A  }
0x26: {  	[smem:$0x3F9D] =	sst s1;
	(tag) =	ssettag s2;
	_ =	strace s9  }
0x27: {  	s1 =	sld [smem:$0x3FAD]  }
0x28: {  	s2 =	sld [smem:$0x3FAE]  }
0x29: {  	s4 =	sld [smem:$0x3FB0]  }
0x2a: {  	p0 =	seq.s32 s5, $0x0;
	s5 =	sld [smem:$0x3FB1]  }
0x2b: {  	s6 =	sld [smem:$0x3FB2]  }
0x2c: {  	s7 =	sld [smem:$0x3FB3]  }
0x2d: {  	s3 =	simm.s32 $0x108;
	s8 =	sld [smem:$0x3FB4]  }
0x2e: {  	s3 =	simm.s32 @!p0 $0x1082;
	s9 =	sld [smem:$0x3FB5]  }
0x2f: {  	lr =	sadd.s32 s0, s3;
	s0 =	sld [smem:$0x3FAC]  }
0x30: {  	s3 =	sld [smem:$0x3FAF]  }
0x31: {  	[smem:$0x3FB8] =	sst s10  }
0x32: {  	s10 =	sld [smem:$0x3FB6];
	_ =	sdelay $0x3  }
0x33: {  	p0 =	seq.s32 s10, $0x1;
	s10 =	sld [smem:$0x3FB8];
	_ =	sdelay $0x3  }
0x34: {  	[smem:$0x3FB8] =	sst s10  }
0x35: {  	s10 =	sld [smem:$0x3FB7];
	_ =	sdelay $0x3  }
0x36: {  	p1 =	seq.s32 s10, $0x1;
	s10 =	sld [smem:$0x3FB8];
	_ =	sdelay $0x3  }
0x37: {  	[smem:$0x3FB8] =	sst s10  }
0x38: {  	s10 =	sld [smem:$0x3FB9]  }
0x39: {  	_ = 	snop;
	(pc) =	sbr.ind lr, $3  }
0x3a: {  	_ = 	snop  }
0x3b: {  	_ = 	snop  }
0x3c: {  	p2 =	seq.s32 s10, $0x1;
	s10 =	sld [smem:$0x3FB8]  }
0x3d: {  	_ =	shalt  }
0x3e: {  	_ =	shalt  }
0x3f: {  	_ =	shalt  }
0x40: {  	_ =	shalt  }
0x41: {  	_ =	shalt  }
0x42: {  	_ =	shalt  }
0x43: {  	_ =	shalt  }
0x44: {  	_ =	shalt  }
0x45: {  	_ =	shalt  }
0x46: {  	_ =	shalt  }
0x47: {  	_ =	shalt  }
0x48: {  	_ =	shalt  }
0x49: {  	_ =	shalt  }
0x4a: {  	_ =	shalt  }
0x4b: {  	_ =	shalt  }
0x4c: {  	_ =	shalt  }
0x4d: {  	_ =	shalt  }
0x4e: {  	_ =	shalt  }
0x4f: {  	_ =	shalt  }
0x50: {  	_ =	shalt  }
0x51: {  	_ =	shalt  }
0x52: {  	_ =	shalt  }
0x53: {  	_ =	shalt  }
0x54: {  	_ =	shalt  }
0x55: {  	_ =	shalt  }
0x56: {  	_ =	shalt  }
0x57: {  	_ =	shalt  }
0x58: {  	_ =	shalt  }
0x59: {  	_ =	shalt  }
0x5a: {  	_ =	shalt  }
0x5b: {  	_ =	shalt  }
0x5c: {  	_ =	shalt  }
0x5d: {  	_ =	shalt  }
0x5e: {  	_ =	shalt  }
0x5f: {  	_ =	shalt  }
0x60: {  	_ =	shalt  }
0x61: {  	_ =	shalt  }
0x62: {  	_ =	shalt  }
0x63: {  	_ =	shalt  }
0x64: {  	_ =	shalt  }
0x65: {  	_ =	shalt  }
0x66: {  	_ =	shalt  }
0x67: {  	_ =	shalt  }
0x68: {  	_ =	shalt  }
0x69: {  	_ =	shalt  }
0x6a: {  	_ =	shalt  }
0x6b: {  	_ =	shalt  }
0x6c: {  	_ =	shalt  }
0x6d: {  	_ =	shalt  }
0x6e: {  	_ =	shalt  }
0x6f: {  	_ =	shalt  }
0x70: {  	_ =	shalt  }
0x71: {  	_ =	shalt  }
0x72: {  	_ =	shalt  }
0x73: {  	_ =	shalt  }
0x74: {  	_ =	shalt  }
0x75: {  	_ =	shalt  }
0x76: {  	_ =	shalt  }
0x77: {  	_ =	shalt  }
0x78: {  	_ =	shalt  }
0x79: {  	_ =	shalt  }
0x7a: {  	_ =	shalt  }
0x7b: {  	_ =	shalt  }
0x7c: {  	_ =	shalt  }
0x7d: {  	_ =	shalt  }
0x7e: {  	_ =	shalt  }
0x7f: {  	_ =	shalt  }
0x80: {  	_ =	shalt  }
0x81: {  	_ =	shalt  }
0x82: {  	_ =	shalt  }
0x83: {  	_ =	shalt  }
0x84: {  	_ =	shalt  }
0x85: {  	_ =	shalt  }
0x86: {  	_ =	shalt  }
0x87: {  	_ =	shalt  }
.Lfunc_end0:
.L_simem_size_0:
called_computation_lowered:
.L_overlay_start_0:
0x88: {  	s0 =	sld [smem:$0x3FD9]  }
0x89: {  	s1 =	sld [smem:$0x3FFE];
	_ =	sdelay $0x3  }
0x8a: {  	s0 =	sadd.s32 s1, s0  }
0x8b: {  	[smem:$0x3FC4] =	sst s0  }
0x8c: {  	_ = 	snop  }
0x8d: {  	s0 =	sld [smem:$0x3FC8]  }
0x8e: {  	s16 =	sld [smem:$0x3FC7]  }
0x8f: {  	s2 =	sld [smem:$0x3FC6]  }
0x90: {  	s3 =	sld [smem:$0x3FD0];
	(tm) =	ssettm $0x1  }
0x91: {  	s4 =	sld [smem:$0x3FFB];
	_ =	sdelay $0x3  }
0x92: {  	_ =	strace s4  }
0x93: {  	s4 =	sld [smem:$0x3FFC];
	_ =	sdelay $0x3  }
0x94: {  	_ =	strace s4  }
0x95: {  	s4 =	sld [smem:$0x3FFD];
	_ =	sdelay $0x3  }
0x96: {  	_ =	strace s4  }
0x97: {  	_ =	strace $0x8FFFFFFF  }
0x98: {  	s17 =	sld [smem:$0x3FDB];
	_ =	sdelay $0x1  }
0x99: {  	s5 =	simm.s32 $_scs_section_size  }
0x9a: {  	s6 =	simm.s32 $_size__tile_overlayer_lowered;
	s7 =	simm.s32 $_tile_overlayer_lowered  }
0x9b: {  	s20 =	simm.s32 $0x1BFF;
	s19 =	sshll.u32 s7, $0x1;
	s4 =	sadd.s32 s5, s17  }
0x9c: {  	s8 =	simm.s32 $0x0;
	s18 =	sshll.u32 s6, $0x1;
	s6 =	sadd.s32 s19, s4  }
0x9d: {  	[timem:s8], [sflag:s20] =	dma.local [hbm:s6], s18  }
0x9e: {  	_ =	swait.ge [sflag:s20], s18  }
0x9f: {  	s5 =	ssub.s32 $0x0, s18;
	[sflag:s20] =	ssyncset.done $0x0  }
0xa0: {  	[sflag:s20] =	ssyncadd.s32 s5;
	_ =	sdelay $0x1  }
0xa1: {  	s21 =	simm.s32 $0x1B8B  }
0xa2: {  	_ =	swait.ge [sflag:s21], $0x1  }
0xa3: {  	[sflag:s21] =	ssyncset.done $0x0  }
0xa4: {  	s23 =	simm.s32 $0x1B8E;
	s22 =	sld [smem:$0x3FFE];
	[sflag:s21] =	ssyncadd.s32 $0xFFFFFFFF  }
0xa5: {  	s24 =	simm.s32 $execute0_lowered;
	[smem:$0x3FD2] =	sst s23  }
0xa6: {  	s6 =	sshll.u32 s24, $0x1;
	_ =	strace $0x80000046;
	[dreg:$0x1] =	wrdreg $0xFFFFFFFF  }
0xa7: {  	s25 =	simm.s32 $_size_execute0_lowered;
	s4 =	sadd.s32 s4, s6;
	[dreg:$0x0] =	wrdreg $0x0  }
0xa8: {  	s6 =	sshll.u32 s25, $0x1;
	[dreg:$0x2] =	wrdreg s4  }
0xa9: {  	[dreg:$0x3] =	wrdreg s6  }
0xaa: {  	[dreg:$0x4] =	wrdreg $0xC0  }
0xab: {  	_ =	task [dreg:s8], $0x5FFFF  }
0xac: {  	[dreg:$0x1] =	wrdreg $0xFFFFFFFF  }
0xad: {  	[dreg:$0x0] =	wrdreg $0x60  }
0xae: {  	[dreg:$0x2] =	wrdreg s22  }
0xaf: {  	[dreg:$0x3] =	wrdreg s0  }
0xb0: {  	[dreg:$0x4] =	wrdreg s16  }
0xb1: {  	[dreg:$0x5] =	wrdreg s2  }
0xb2: {  	[dreg:$0x6] =	wrdreg s3  }
0xb3: {  	[dreg:$0x7] =	wrdreg $0x11800  }
0xb4: {  	[dreg:$0x8] =	wrdreg $0x9  }
0xb5: {  	_ =	task.clear_ibuf [dreg:s8], $0x9FFFF;
	_ =	strace $0x90000046  }
0xb6: {  	s26 =	simm.s32 $0x9;
	_ =	strace $0x80000048  }
0xb7: {  	_ =	swait.ge [sflag:s26], $0x1  }
0xb8: {  	[sflag:s26] =	ssyncadd.s32 $0xFFFFFFFF  }
0xb9: {  	_ =	strace $0x90000048  }
0xba: {  	_ =	sfence  }
0xbb: {  	s28 =	sld [smem:$0x0];
	_ =	sdelay $0x1  }
0xbc: {  	s29 =	srdreg.scid  }
0xbd: {  	s30 =	sshll.u32 s29, $0xD;
	s31 =	sshrl.u32 s29, $0x2  }
0xbe: {  	s1 =	sand.u32 $0x1, s29;
	s2 =	sand.u32 $0x4000, s30;
	s0 =	sadd.s32 s31, s28  }
0xbf: {  	s1 =	sor.u32 s2, s1;
	s0 =	sshll.u32 s0, $0x11  }
0xc0: {  	s0 =	sor.u32 s0, s1  }
0xc1: {  	s0 =	sadd.s32 $0x8F2B, s0  }
0xc2: {  	[sflag:s0] =	ssyncadd.remote.s32 $0x1  }
0xc3: {  	_ =	sfence.sel $0xFFFF  }
0xc4: {  	[dreg:$0x0] =	wrdreg $0xFFFFFFFF;
	(pc) =	sbr.abs _section_cstart, $3  }
0xc5: {  	[dreg:$0x1] =	wrdreg $0xFFFFFFFF  }
0xc6: {  	_ =	task.clear_ibuf [dreg:s8], $0x2FFFF;
	_ =	strace $0x9FFFFFFF  }
0xc7: {  	(tm) =	ssettm $0x7FFFFFFF  }
tec
execute0_lowered:
.L_overlay_start_1:
0x0: {  	(tag) =	ssettag $0x1  }
0x1: {  	s6 =	rddreg [dreg:$0x0]  }
0x2: {  	s7 =	rddreg [dreg:$0x1]  }
0x3: {  	s5 =	rddreg [dreg:$0x2]  }
0x4: {  	s8 =	rddreg [dreg:$0x3]  }
0x5: {  	s1 =	rddreg [dreg:$0x4]  }
0x6: {  	s2 =	rddreg [dreg:$0x5];
	s4 =	simm.s32 $0x0  }
0x7: {  	v0 =	vimm.s32 $0x0;
	[smem:$0x7FF] =	sst s4  }
0x8: {  	s0 =	rddreg [dreg:$0x6];
	s3 =	stileid.u32;
	_ =	strace $0x80000047;
	[tilespmem:$0x0] =	vst v0  }
0x9: {  	s9 =	simm.s32 $0x10;
	p1 =	sgt.u32 s3, $0xB;
	[tilespmem:$0x10] =	vst v0  }
0xa: {  	[tilespmem:s9], [sflag:$0x2] =	stream.linear.gather [hbm4b:s8+s4], $0x1, $0x38;
	[tilespmem:$0x1210] =	vst v63  }
0xb: {  	s8 =	sshll.u32 @!p1 s3, $0x1  }
0xc: {  	s9 =	simm.s32 @!p1 $0x0;
	s8 =	sadd.s32 @!p1 s7, s8  }
0xd: {  	[tilespmem:s9], [sflag:$0x4] =	stream.linear.gather @!p1 [hbm4b:s8+s9], $0x10, $0x38;
	[tilespmem:$0x1210] =	vst v63  }
0xe: {  	p0 =	sgt.s32 s3, $0xD;
	s8 =	simm.s32 @!p1 $0x4  }
0xf: {  	p2 =	seq.s32 @p0 s3, $0xE;
	_ =	swait.ge @!p1 [sflag:s8], $0x10  }
0x10: {  	p3 =	por !p2, !p0;
	s9 =	sadd.s32 $0x3, s5;
	[sflag:s8] =	ssyncset.done @!p1 $0x0  }
0x11: {  	[sflag:s8] =	ssyncadd.s32 @!p1 $0xFFFFFFF0;
	s8 =	simm.s32 @!p3 $0x0;
	p1 =	por p2, !p0  }
0x12: {  	[tilespmem:s8], [sflag:$0x4] =	stream.linear.gather @!p3 [hbm4b:s9+s8], $0x10, $0x38;
	[tilespmem:$0x1210] =	vst v63  }
0x13: {  	s8 =	simm.s32 @!p3 $0x4;
	p1 =	seq.s32 @!p1 s3, $0xF  }
0x14: {  	_ =	swait.ge @!p3 [sflag:s8], $0x10;
	p1 =	por @p0 !p1, p2  }
0x15: {  	[sflag:s8] =	ssyncset.done @!p3 $0x0;
	p2 =	por p1, !p0  }
0x16: {  	s9 =	sadd.s32 $0x5, s5;
	[sflag:s8] =	ssyncadd.s32 @!p3 $0xFFFFFFF0;
	s8 =	simm.s32 @!p2 $0x0  }
0x17: {  	[tilespmem:s8], [sflag:$0x3] =	stream.linear.gather @!p2 [hbm4b:s9+s8], $0x8, $0x38;
	[tilespmem:$0x1210] =	vst v63  }
0x18: {  	s10 =	simm.s32 @!p2 $0x8;
	s9 =	sadd.s32 $0x6, s5  }
0x19: {  	[tilespmem:s10], [sflag:$0x3] =	stream.linear.gather @!p2 [hbm4b:s9+s8], $0x2, $0x38;
	[tilespmem:$0x1210] =	vst v63  }
0x1a: {  	s8 =	simm.s32 @!p2 $0x3  }
0x1b: {  	_ =	swait.ge @!p2 [sflag:s8], $0x8  }
0x1c: {  	[sflag:s8] =	ssyncset.done @!p2 $0x0  }
0x1d: {  	[sflag:s8] =	ssyncadd.s32 @!p2 $0xFFFFFFF8  }
0x1e: {  	p3 =	seq.s32 @!p0 s3, $0xC;
	_ =	swait.ge @!p2 [sflag:s8], $0x2  }
0x1f: {  	p1 =	por !p3, p0;
	[sflag:s8] =	ssyncset.done @!p2 $0x0  }
0x20: {  	s7 =	sadd.s32 $0x18, s7;
	[sflag:s8] =	ssyncadd.s32 @!p2 $0xFFFFFFFE;
	s8 =	simm.s32 @!p1 $0x0  }
0x21: {  	[tilespmem:s8], [sflag:$0x3] =	stream.linear.gather @!p1 [hbm4b:s7+s8], $0x8, $0x38;
	[tilespmem:$0x1210] =	vst v63  }
0x22: {  	s7 =	simm.s32 @!p1 $0x8  }
0x23: {  	[tilespmem:s7], [sflag:$0x3] =	stream.linear.gather @!p1 [hbm4b:s5+s8], $0x8, $0x38;
	[tilespmem:$0x1210] =	vst v63  }
0x24: {  	s7 =	simm.s32 @!p1 $0x3  }
0x25: {  	_ =	swait.ge @!p1 [sflag:s7], $0x8  }
0x26: {  	p2 =	por p3, p0;
	[sflag:s7] =	ssyncset.done @!p1 $0x0  }
0x27: {  	p2 =	seq.s32 @!p2 s3, $0xD;
	[sflag:s7] =	ssyncadd.s32 @!p1 $0xFFFFFFF8  }
0x28: {  	p2 =	por @!p0 !p2, p3;
	_ =	swait.ge @!p1 [sflag:s7], $0x8  }
0x29: {  	p0 =	por p2, p0;
	[sflag:s7] =	ssyncset.done @!p1 $0x0  }
0x2a: {  	s5 =	sadd.s32 $0x1, s5;
	[sflag:s7] =	ssyncadd.s32 @!p1 $0xFFFFFFF8;
	s7 =	simm.s32 @!p0 $0x0  }
0x2b: {  	[tilespmem:s7], [sflag:$0x4] =	stream.linear.gather @!p0 [hbm4b:s5+s7], $0x10, $0x38;
	[tilespmem:$0x1210] =	vst v63  }
0x2c: {  	s5 =	simm.s32 @!p0 $0x4  }
0x2d: {  	_ =	swait.ge @!p0 [sflag:s5], $0x10  }
0x2e: {  	[sflag:s5] =	ssyncset.done @!p0 $0x0  }
0x2f: {  	[sflag:s5] =	ssyncadd.s32 @!p0 $0xFFFFFFF0;
	s5 =	simm.s32 $0x2  }
0x30: {  	_ =	swait.ge [sflag:s5], $0x1  }
0x31: {  	[sflag:s5] =	ssyncset.done $0x0  }
0x32: {  	[sflag:s5] =	ssyncadd.s32 $0xFFFFFFFF  }
0x33: {  	v1 =	vld [tilespmem:$0x0];
	_ =	sdelay $0x4  }
0x34: {  	v1 =	vshll.u32 v1, $0x4  }
0x35: {  	(v2sf) =	vpush v1, $0x0  }
0x36: {  	(v2sf) =	vpush v1, $0x1  }
0x37: {  	(v2sf) =	vpush v1, $0x2;
	_ =	sdelay $0x7  }
0x38: {  	(v2sf) =	vpush v1, $0x3;
	_ =	sdelay $0x4  }
0x39: {  	s11 =	spop (v2sf);
	(v2sf) =	vpush v1, $0x4  }
0x3a: {  	s13 =	spop (v2sf);
	(v2sf) =	vpush v1, $0x5  }
0x3b: {  	s15 =	spop (v2sf);
	(v2sf) =	vpush v1, $0x6  }
0x3c: {  	s6 =	sadd.s32 $0x400, s6;
	s7 =	sand.u32 $0x1FFFFFF0, s11  }
0x3d: {  	s12 =	simm.s32 $0x80;
	s7 =	sadd.s32 s6, s7  }
0x3e: {  	v2 =	vld [tilespmem:$0x10];
	[tilespmem:s12], [sflag:$0x1] =	stream.linear.gather [hbm4b:s7+s4], $0x80, $0x38  }
0x3f: {  	s7 =	sand.u32 $0x1FFFFFF0, s13  }
0x40: {  	s14 =	simm.s32 $0x100;
	s7 =	sadd.s32 s6, s7  }
0x41: {  	[tilespmem:s14], [sflag:$0x1] =	stream.linear.gather [hbm4b:s7+s4], $0x80, $0x38;
	[tilespmem:$0x1210] =	vst v63  }
0x42: {  	s7 =	sand.u32 $0x1FFFFFF0, s15  }
0x43: {  	s16 =	simm.s32 $0x180;
	s17 =	spop (v2sf);
	(v2sf) =	vpush v1, $0x7;
	s7 =	sadd.s32 s6, s7  }
0x44: {  	[tilespmem:s16], [sflag:$0x1] =	stream.linear.gather [hbm4b:s7+s4], $0x80, $0x38;
	[tilespmem:$0x1210] =	vst v63  }
0x45: {  	s7 =	sand.u32 $0x1FFFFFF0, s17  }
0x46: {  	s18 =	simm.s32 $0x200;
	s7 =	sadd.s32 s6, s7  }
0x47: {  	[tilespmem:s18], [sflag:$0x1] =	stream.linear.gather [hbm4b:s7+s4], $0x80, $0x38;
	[tilespmem:$0x1210] =	vst v63  }
0x48: {  	s19 =	spop (v2sf);
	(v2sf) =	vpush v1, $0x8  }
0x49: {  	s21 =	spop (v2sf);
	(v2sf) =	vpush v1, $0x9  }
0x4a: {  	s23 =	spop (v2sf);
	(v2sf) =	vpush v1, $0xA  }
0x4b: {  	s7 =	sand.u32 $0x1FFFFFF0, s19  }
0x4c: {  	s20 =	simm.s32 $0x280;
	s7 =	sadd.s32 s6, s7  }
0x4d: {  	[tilespmem:s20], [sflag:$0x1] =	stream.linear.gather [hbm4b:s7+s4], $0x80, $0x38;
	(v2sf) =	vpush v1, $0xB;
	[tilespmem:$0x1210] =	vst v63  }
0x4e: {  	s7 =	sand.u32 $0x1FFFFFF0, s21  }
0x4f: {  	s22 =	simm.s32 $0x300;
	s7 =	sadd.s32 s6, s7  }
0x50: {  	[tilespmem:s22], [sflag:$0x1] =	stream.linear.gather [hbm4b:s7+s4], $0x80, $0x38;
	[tilespmem:$0x1210] =	vst v63  }
0x51: {  	s7 =	sand.u32 $0x1FFFFFF0, s23  }
0x52: {  	s24 =	simm.s32 $0x380;
	s25 =	spop (v2sf);
	(v2sf) =	vpush v1, $0xC;
	s7 =	sadd.s32 s6, s7  }
0x53: {  	[tilespmem:s24], [sflag:$0x1] =	stream.linear.gather [hbm4b:s7+s4], $0x80, $0x38;
	[tilespmem:$0x1210] =	vst v63  }
0x54: {  	s7 =	sand.u32 $0x1FFFFFF0, s25  }
0x55: {  	s26 =	simm.s32 $0x400;
	s7 =	sadd.s32 s6, s7  }
0x56: {  	[tilespmem:s26], [sflag:$0x1] =	stream.linear.gather [hbm4b:s7+s4], $0x80, $0x38;
	[tilespmem:$0x1210] =	vst v63  }
0x57: {  	s28 =	spop (v2sf);
	(v2sf) =	vpush v1, $0xD  }
0x58: {  	s7 =	sand.u32 $0x1FFFFFF0, s28;
	s30 =	spop (v2sf);
	(v2sf) =	vpush v1, $0xE  }
0x59: {  	s29 =	simm.s32 $0x480;
	s7 =	sadd.s32 s6, s7;
	s8 =	spop (v2sf);
	(v2sf) =	vpush v1, $0xF  }
0x5a: {  	[tilespmem:s29], [sflag:$0x1] =	stream.linear.gather [hbm4b:s7+s4], $0x80, $0x38;
	[tilespmem:$0x1210] =	vst v63  }
0x5b: {  	s7 =	sand.u32 $0x1FFFFFF0, s30  }
0x5c: {  	s31 =	simm.s32 $0x500;
	s10 =	spop (v2sf);
	s7 =	sadd.s32 s6, s7  }
0x5d: {  	(v2sf) =	vpush v2, $0x0;
	[tilespmem:s31], [sflag:$0x1] =	stream.linear.gather [hbm4b:s7+s4], $0x80, $0x38;
	[tilespmem:$0x1210] =	vst v63  }
0x5e: {  	s7 =	sand.u32 $0x1FFFFFF0, s8  }
0x5f: {  	s9 =	simm.s32 $0x580;
	s7 =	sadd.s32 s6, s7  }
0x60: {  	[tilespmem:s9], [sflag:$0x1] =	stream.linear.gather [hbm4b:s7+s4], $0x80, $0x38;
	[tilespmem:$0x1210] =	vst v63  }
0x61: {  	s11 =	spop (v2sf);
	s7 =	sand.u32 $0x1FFFFFF0, s10  }
0x62: {  	s12 =	simm.s32 $0x600;
	s13 =	sand.u32 $0x1FFFFFF0, s11;
	s7 =	sadd.s32 s6, s7  }
0x63: {  	[tilespmem:s12], [sflag:$0x1] =	stream.linear.gather [hbm4b:s7+s4], $0x80, $0x38;
	[tilespmem:$0x1210] =	vst v63  }
0x64: {  	s15 =	simm.s32 $0x680;
	s7 =	sadd.s32 s6, s13  }
0x65: {  	[tilespmem:s15], [sflag:$0x1] =	stream.linear.gather [hbm4b:s7+s4], $0x80, $0x38;
	[tilespmem:$0x1210] =	vst v63  }
0x66: {  	s14 =	spop (v2sf)  }
0x67: {  	s18 =	simm.s32 $0x700;
	s16 =	sand.u32 $0x1FFFFFF0, s14;
	s17 =	spop (v2sf)  }
0x68: {  	s7 =	sadd.s32 s6, s16;
	s19 =	sand.u32 $0x1FFFFFF0, s17;
	s20 =	spop (v2sf)  }
0x69: {  	[tilespmem:s18], [sflag:$0x1] =	stream.linear.gather [hbm4b:s7+s4], $0x80, $0x38;
	[tilespmem:$0x1210] =	vst v63  }
0x6a: {  	s21 =	simm.s32 $0x780;
	s7 =	sadd.s32 s6, s19;
	s22 =	sand.u32 $0x1FFFFFF0, s20  }
0x6b: {  	[tilespmem:s21], [sflag:$0x1] =	stream.linear.gather [hbm4b:s7+s4], $0x80, $0x38;
	[tilespmem:$0x1210] =	vst v63  }
0x6c: {  	s23 =	simm.s32 $0x800;
	s24 =	spop (v2sf);
	s7 =	sadd.s32 s6, s22  }
0x6d: {  	[tilespmem:s23], [sflag:$0x1] =	stream.linear.gather [hbm4b:s7+s4], $0x80, $0x38;
	[tilespmem:$0x1210] =	vst v63  }
0x6e: {  	s7 =	sshll.u32 s24, $0x4  }
0x6f: {  	s7 =	sand.u32 $0x1FFFFFF0, s7  }
0x70: {  	s25 =	simm.s32 $0x880;
	s26 =	simm.s32 $0x1;
	s6 =	sadd.s32 s6, s7  }
0x71: {  	[tilespmem:s25], [sflag:$0x2] =	stream.linear.gather [hbm4b:s6+s4], $0x80, $0x38;
	[tilespmem:$0x1210] =	vst v63  }
0x72: {  	_ =	swait.ge [sflag:s26], $0x80  }
0x73: {  	[sflag:s26] =	ssyncset.done $0x0  }
0x74: {  	[sflag:s26] =	ssyncadd.s32 $0xFFFFFF80  }
0x75: {  	_ =	swait.ge [sflag:s26], $0x80  }
0x76: {  	[sflag:s26] =	ssyncset.done $0x0  }
0x77: {  	[sflag:s26] =	ssyncadd.s32 $0xFFFFFF80  }
0x78: {  	_ =	swait.ge [sflag:s26], $0x80  }
0x79: {  	[sflag:s26] =	ssyncset.done $0x0  }
0x7a: {  	[sflag:s26] =	ssyncadd.s32 $0xFFFFFF80  }
0x7b: {  	_ =	swait.ge [sflag:s26], $0x80  }
0x7c: {  	[sflag:s26] =	ssyncset.done $0x0  }
0x7d: {  	[sflag:s26] =	ssyncadd.s32 $0xFFFFFF80  }
0x7e: {  	_ =	swait.ge [sflag:s26], $0x80  }
0x7f: {  	[sflag:s26] =	ssyncset.done $0x0  }
0x80: {  	[sflag:s26] =	ssyncadd.s32 $0xFFFFFF80  }
0x81: {  	_ =	swait.ge [sflag:s26], $0x80  }
0x82: {  	[sflag:s26] =	ssyncset.done $0x0  }
0x83: {  	[sflag:s26] =	ssyncadd.s32 $0xFFFFFF80  }
0x84: {  	_ =	swait.ge [sflag:s26], $0x80  }
0x85: {  	[sflag:s26] =	ssyncset.done $0x0  }
0x86: {  	[sflag:s26] =	ssyncadd.s32 $0xFFFFFF80  }
0x87: {  	_ =	swait.ge [sflag:s26], $0x80  }
0x88: {  	[sflag:s26] =	ssyncset.done $0x0  }
0x89: {  	[sflag:s26] =	ssyncadd.s32 $0xFFFFFF80  }
0x8a: {  	_ =	swait.ge [sflag:s26], $0x80  }
0x8b: {  	[sflag:s26] =	ssyncset.done $0x0  }
0x8c: {  	[sflag:s26] =	ssyncadd.s32 $0xFFFFFF80  }
0x8d: {  	_ =	swait.ge [sflag:s26], $0x80  }
0x8e: {  	[sflag:s26] =	ssyncset.done $0x0  }
0x8f: {  	[sflag:s26] =	ssyncadd.s32 $0xFFFFFF80  }
0x90: {  	_ =	swait.ge [sflag:s26], $0x80  }
0x91: {  	[sflag:s26] =	ssyncset.done $0x0  }
0x92: {  	[sflag:s26] =	ssyncadd.s32 $0xFFFFFF80  }
0x93: {  	_ =	swait.ge [sflag:s26], $0x80  }
0x94: {  	[sflag:s26] =	ssyncset.done $0x0  }
0x95: {  	[sflag:s26] =	ssyncadd.s32 $0xFFFFFF80  }
0x96: {  	_ =	swait.ge [sflag:s26], $0x80  }
0x97: {  	[sflag:s26] =	ssyncset.done $0x0  }
0x98: {  	[sflag:s26] =	ssyncadd.s32 $0xFFFFFF80  }
0x99: {  	_ =	swait.ge [sflag:s26], $0x80  }
0x9a: {  	[sflag:s26] =	ssyncset.done $0x0  }
0x9b: {  	[sflag:s26] =	ssyncadd.s32 $0xFFFFFF80  }
0x9c: {  	_ =	swait.ge [sflag:s26], $0x80  }
0x9d: {  	[sflag:s26] =	ssyncset.done $0x0  }
0x9e: {  	[sflag:s26] =	ssyncadd.s32 $0xFFFFFF80  }
0x9f: {  	_ =	swait.ge [sflag:s26], $0x80  }
0xa0: {  	[sflag:s26] =	ssyncset.done $0x0  }
0xa1: {  	[sflag:s26] =	ssyncadd.s32 $0xFFFFFF80  }
0xa2: {  	_ =	swait.ge [sflag:s5], $0x80  }
0xa3: {  	[sflag:s5] =	ssyncset.done $0x0  }
0xa4: {  	[sflag:s5] =	ssyncadd.s32 $0xFFFFFF80  }
0xa5: {  	v35 =	vld [tilespmem:$0x880]  }
0xa6: {  	v36 =	vld [tilespmem:$0x890]  }
0xa7: {  	v3 =	vld [tilespmem:$0x80]  }
0xa8: {  	v4 =	vld [tilespmem:$0x90]  }
0xa9: {  	v5 =	vld [tilespmem:$0x100]  }
0xaa: {  	v6 =	vld [tilespmem:$0x110]  }
0xab: {  	v7 =	vld [tilespmem:$0x180]  }
0xac: {  	v8 =	vld [tilespmem:$0x190]  }
0xad: {  	v9 =	vld [tilespmem:$0x200]  }
0xae: {  	v10 =	vld [tilespmem:$0x210]  }
0xaf: {  	v37 =	vld [tilespmem:$0x280]  }
0xb0: {  	v38 =	vld [tilespmem:$0x290]  }
0xb1: {  	v39 =	vld [tilespmem:$0x300]  }
0xb2: {  	v40 =	vld [tilespmem:$0x310]  }
0xb3: {  	v11 =	vld [tilespmem:$0x380];
	v3 =	vmul.f32 v3, v35;
	v4 =	vmul.f32 v4, v36  }
0xb4: {  	v12 =	vld [tilespmem:$0x390];
	v5 =	vmul.f32 v5, v35;
	v6 =	vmul.f32 v6, v36  }
0xb5: {  	v13 =	vld [tilespmem:$0x400];
	v3 =	vadd.f32 v4, v3  }
0xb6: {  	v14 =	vld [tilespmem:$0x410];
	v5 =	vadd.f32 v6, v5  }
0xb7: {  	v15 =	vld [tilespmem:$0x480];
	(xrf2) =	vadd.scan.msk.f32 $0xffff, v3  }
0xb8: {  	v16 =	vld [tilespmem:$0x490];
	(xrf2) =	vadd.scan.msk.f32 $0xffff, v5  }
0xb9: {  	v17 =	vld [tilespmem:$0x500]  }
0xba: {  	v18 =	vld [tilespmem:$0x510]  }
0xbb: {  	v20 =	vld [tilespmem:$0x580]  }
0xbc: {  	v22 =	vld [tilespmem:$0x590]  }
0xbd: {  	v23 =	vld [tilespmem:$0x600];
	v7 =	vmul.f32 v7, v35;
	v8 =	vmul.f32 v8, v36  }
0xbe: {  	v43 =	vld [tilespmem:$0x610];
	v41 =	vmul.f32 v9, v35;
	v42 =	vmul.f32 v10, v36  }
0xbf: {  	v24 =	vld [tilespmem:$0x680];
	v7 =	vadd.f32 v8, v7;
	v4 =	vmul.f32 v37, v35;
	v6 =	vmul.f32 v38, v36  }
0xc0: {  	v45 =	vld [tilespmem:$0x690];
	v44 =	vadd.f32 v42, v41;
	v3 =	vmul.f32 v39, v35;
	v5 =	vmul.f32 v40, v36  }
0xc1: {  	v48 =	vld [tilespmem:$0x700];
	v46 =	vmul.f32 v11, v35;
	v47 =	vmul.f32 v12, v36;
	v4 =	vadd.f32 v6, v4;
	v19, _, _ =	vpop (xrf2);
	(xrf2) =	vadd.scan.msk.f32 $0xffff, v7  }
0xc2: {  	v51 =	vld [tilespmem:$0x710];
	v49 =	vmul.f32 v13, v35;
	v50 =	vmul.f32 v14, v36;
	v3 =	vadd.f32 v5, v3;
	v21, _, _ =	vpop (xrf2);
	(xrf2) =	vadd.scan.msk.f32 $0xffff, v44  }
0xc3: {  	v55 =	vld [tilespmem:$0x780];
	v53 =	vmul.f32 v15, v35;
	v54 =	vmul.f32 v16, v36;
	v52 =	vadd.f32 v47, v46;
	(xrf2) =	vadd.scan.msk.f32 $0xffff, v4  }
0xc4: {  	v59 =	vld [tilespmem:$0x790];
	v57 =	vmul.f32 v17, v35;
	v58 =	vmul.f32 v18, v36;
	v56 =	vadd.f32 v50, v49;
	(xrf2) =	vadd.scan.msk.f32 $0xffff, v3  }
0xc5: {  	v61 =	vmul.f32 v20, v35;
	v62 =	vmul.f32 v22, v36;
	v17 =	vld [tilespmem:$0x800];
	v60 =	vadd.f32 v54, v53;
	(xrf2) =	vadd.scan.msk.f32 $0xffff, v52  }
0xc6: {  	v15 =	vmul.f32 v23, v35;
	v16 =	vmul.f32 v43, v36;
	v63 =	vadd.f32 v58, v57;
	(xrf2) =	vadd.scan.msk.f32 $0xffff, v56  }
0xc7: {  	v20 =	vmul.f32 v24, v35;
	v22 =	vld [tilespmem:$0x810];
	v18 =	vadd.f32 v62, v61;
	v8 =	vmul.f32 v45, v36;
	(xrf2) =	vadd.scan.msk.f32 $0xffff, v60  }
0xc8: {  	v24 =	vmul.f32 v48, v35;
	v25 =	vmul.f32 v51, v36;
	v23 =	vadd.f32 v16, v15;
	(xrf2) =	vadd.scan.msk.f32 $0xffff, v63  }
0xc9: {  	v27 =	vmul.f32 v55, v35;
	v28 =	vmul.f32 v59, v36;
	v26 =	vadd.f32 v8, v20;
	(xrf2) =	vadd.scan.msk.f32 $0xffff, v18  }
0xca: {  	vm0 =	vmmov $0x1;
	v29 =	vadd.f32 v25, v24;
	v1 =	vmul.f32 v17, v35;
	(xrf2) =	vadd.scan.msk.f32 $0xffff, v23  }
0xcb: {  	v33 =	vadd.f32 v28, v27;
	v19 =	vbroadcast v19, $0xF;
	v21 =	vbroadcast v21, $0xF;
	v30, _, _ =	vpop (xrf2);
	(xrf2) =	vadd.scan.msk.f32 $0xffff, v26  }
0xcc: {  	vm12 =	vmmov $0x3;
	v2 =	vmul.f32 v22, v36;
	v32 =	vbroadcast v30, $0xF;
	v34, _, _ =	vpop (xrf2);
	(xrf2) =	vadd.scan.msk.f32 $0xffff, v29  }
0xcd: {  	vm13 =	vmmov $0x7;
	v31 =	vsel vm0, v19, v21;
	v36 =	vbroadcast v34, $0xF;
	v37, _, _ =	vpop (xrf2);
	(xrf2) =	vadd.scan.msk.f32 $0xffff, v33  }
0xce: {  	v1 =	vadd.f32 v2, v1;
	v35 =	vsel vm12, v31, v32;
	v38, _, _ =	vpop (xrf2);
	v6 =	vbroadcast v37, $0xF  }
0xcf: {  	vm14 =	vmmov $0xf;
	v39, _, _ =	vpop (xrf2);
	v3 =	vsel vm13, v35, v36;
	v40 =	vbroadcast v38, $0xF  }
0xd0: {  	vm15 =	vmmov $0x1f;
	(xrf2) =	vadd.scan.msk.f32 $0xffff, v1;
	v3 =	vsel vm14, v3, v6;
	v2 =	vbroadcast v39, $0xF;
	v41, _, _ =	vpop (xrf2)  }
0xd1: {  	vm4 =	vmmov $0x3f;
	v42, _, _ =	vpop (xrf2);
	v3 =	vsel vm15, v3, v40;
	v43 =	vbroadcast v41, $0xF  }
0xd2: {  	vm5 =	vmmov $0x7f;
	v44, _, _ =	vpop (xrf2);
	v2 =	vsel vm4, v3, v2;
	v1 =	vbroadcast v42, $0xF  }
0xd3: {  	vm6 =	vmmov $0xff;
	v45, _, _ =	vpop (xrf2);
	v2 =	vsel vm5, v2, v43;
	v46 =	vbroadcast v44, $0xF  }
0xd4: {  	vm7 =	vmmov $0x1ff;
	v47, _, _ =	vpop (xrf2);
	v1 =	vsel vm6, v2, v1;
	v48 =	vbroadcast v45, $0xF  }
0xd5: {  	vm8 =	vmmov $0x3ff;
	v49, _, _ =	vpop (xrf2);
	v1 =	vsel vm7, v1, v46;
	v50 =	vbroadcast v47, $0xF  }
0xd6: {  	vm9 =	vmmov $0x7ff;
	v51, _, _ =	vpop (xrf2);
	v1 =	vsel vm8, v1, v48;
	v52 =	vbroadcast v49, $0xF  }
0xd7: {  	vm10 =	vmmov $0xfff;
	v53, _, _ =	vpop (xrf2);
	v1 =	vsel vm9, v1, v50;
	v54 =	vbroadcast v51, $0xF  }
0xd8: {  	vm11 =	vmmov $0x1fff;
	v1 =	vsel vm10, v1, v52;
	v55 =	vbroadcast v53, $0xF  }
0xd9: {  	vm12 =	vmmov $0x3fff;
	v1 =	vsel vm11, v1, v54  }
0xda: {  	s28 =	sshll.u32 s3, $0x4;
	v56 =	vlaneseq.u32;
	vm13 =	vmmov $0x7fff;
	v57, _, _ =	vpop (xrf2);
	v1 =	vsel vm12, v1, v55  }
0xdb: {  	v3 =	vor.u32 s28, v56;
	v1 =	vsel vm13, v1, v57  }
0xdc: {  	vm14 =	vlt.u32 v3, $0xC8;
	v2 =	vxor.u32 $0x80000000, v1  }
0xdd: {  	v1 =	vsel vm14, v2, v1  }
0xde: {  	v1 =	vmul.f32 $1.442695020e+00, v1;
	_ =	sdelay $0x1  }
0xdf: {  	(erf) = vpow2.f32 v1;
	_ =	sdelay $0x8  }
0xe0: {  	v1 =	vpop (erf)  }
0xe1: {  	v1 =	vadd.f32 $1.000000000e+00, v1;
	_ =	sdelay $0x1  }
0xe2: {  	v58 =	vand.u32 $0x7FFFFF, v1  }
0xe3: {  	v2 =	vor.u32 $0x3F800000, v58  }
0xe4: {  	v59 =	vmul.f32 $5.000000000e-01, v2  }
0xe5: {  	vm1 =	vgt.f32 v2, $1.414213540e+00  }
0xe6: {  	v2 =	vsel vm1, v59, v2  }
0xe7: {  	v4 =	vadd.f32 $1.000000000e+00, v2;
	_ =	sdelay $0x1  }
0xe8: {  	(erf) = vrcp.f32 v4;
	_ =	sdelay $0x7  }
0xe9: {  	v2 =	vadd.f32 $-1.000000000e+00, v2  }
0xea: {  	v4 =	vpop (erf)  }
0xeb: {  	v2 =	vmul.f32 v4, v2;
	_ =	sdelay $0x1  }
0xec: {  	v4 =	vmul.f32 v2, v2;
	_ =	sdelay $0x1  }
0xed: {  	v60 =	vmul.f32 $1.428571490e-01, v4;
	_ =	sdelay $0x1  }
0xee: {  	v5 =	vadd.f32 $2.000000030e-01, v60;
	_ =	sdelay $0x1  }
0xef: {  	v5 =	vmul.f32 v5, v4;
	_ =	sdelay $0x1  }
0xf0: {  	v5 =	vadd.f32 $3.333333430e-01, v5  }
0xf1: {  	v1 =	vshrl.u32 v1, $0x17;
	v0 =	vsel vm1, $0x1, v0  }
0xf2: {  	v0 =	vadd.s32 v0, v1;
	v61 =	vmul.f32 v5, v4  }
0xf3: {  	v0 =	vadd.s32 $0xFFFFFF81, v0  }
0xf4: {  	v0 =	vcvt.s32.f32 v0;
	v2 =	vadd.f32 v2, v2;
	v1 =	vadd.f32 $1.000000000e+00, v61;
	_ =	sdelay $0x1  }
0xf5: {  	v0 =	vmul.f32 $6.931471820e-01, v0;
	v1 =	vmul.f32 v1, v2  }
0xf6: {  	v62 =	vimm.f32 $0.0e+00;
	vm15 =	vlt.u32 v3, $0xFA  }
0xf7: {  	v2 =	vsel vm15, $0x3CA3D70A, v62;
	v0 =	vadd.f32 v1, v0  }
0xf8: {  	v63 =	vsel vm14, $0x3BA3D70A, v2  }
0xf9: {  	v0 =	vmul.f32 v0, v63  }
0xfa: {  	s29 =	sshll.u32 s3, $0x7  }
0xfb: {  	s30 =	simm.s32 $0x1100;
	s31 =	simm.s32 $0x4;
	s4 =	sadd.s32 s29, s2;
	[tilespmem:$0x1100] =	vst v0  }
0xfc: {  	[spmem:s4] =	stream.linear.scatter [tilespmem:s30], [sflag:$0x4], $0x80, $0x38;
	[tilespmem:$0x1210] =	vst v63  }
0xfd: {  	_ =	swait.ge [sflag:s31], $0x80  }
0xfe: {  	[sflag:s31] =	ssyncset.done $0x0  }
0xff: {  	[sflag:s31] =	ssyncadd.s32 $0xFFFFFF80  }
0x100: {  	p0 =	sne.s32 s3, $0x0;
	[bflag:$0x0] =	sbarrier.arrive $0xFFFF  }
0x101: {  	_ =	sfence.sel @p0 $0x180000  }
0x102: {  	[bflag:$0x0] =	sbarrier.arrive @p0 $0xFFFF  }
0x103: {  	_ =	strace @p0 $0x90000047  }
0x104: {  	s3 =	simm.s32 @!p0 $0x900;
	[bflag:$0x2] =	sbarrier.arrive @p0 $0xFFFF  }
0x105: {  	[tilespmem:s3], [sflag:$0x4] =	stream.linear.gather @!p0 [spmem:s2], $0x800, $0x38;
	[tilespmem:$0x1210] =	vst v63  }
0x106: {  	s2 =	simm.s32 @!p0 $0x4  }
0x107: {  	_ =	swait.ge @!p0 [sflag:s2], $0x800  }
0x108: {  	[sflag:s2] =	ssyncset.done @!p0 $0x0  }
0x109: {  	[sflag:s2] =	ssyncadd.s32 @!p0 $0xFFFFF800  }
0x10a: {  	v0 =	vld @!p0 [tilespmem:$0x900];
	_ =	sdelay $0x1  }
0x10b: {  	v1 =	vld @!p0 [tilespmem:$0x980];
	_ =	sdelay $0x1  }
0x10c: {  	v2 =	vld @!p0 [tilespmem:$0xA00]  }
0x10d: {  	v0 =	vadd.f32 @!p0 $0.0e+00, v0  }
0x10e: {  	v3 =	vld @!p0 [tilespmem:$0xA80]  }
0x10f: {  	v0 =	vadd.f32 @!p0 v1, v0  }
0x110: {  	v1 =	vld @!p0 [tilespmem:$0xB00]  }
0x111: {  	v0 =	vadd.f32 @!p0 v2, v0  }
0x112: {  	v2 =	vld @!p0 [tilespmem:$0xB80]  }
0x113: {  	v0 =	vadd.f32 @!p0 v3, v0  }
0x114: {  	v3 =	vld @!p0 [tilespmem:$0xC00]  }
0x115: {  	v0 =	vadd.f32 @!p0 v1, v0  }
0x116: {  	v1 =	vld @!p0 [tilespmem:$0xC80]  }
0x117: {  	v0 =	vadd.f32 @!p0 v2, v0  }
0x118: {  	v2 =	vld @!p0 [tilespmem:$0xD00]  }
0x119: {  	v0 =	vadd.f32 @!p0 v3, v0  }
0x11a: {  	v3 =	vld @!p0 [tilespmem:$0xD80]  }
0x11b: {  	v0 =	vadd.f32 @!p0 v1, v0  }
0x11c: {  	v1 =	vld @!p0 [tilespmem:$0xE00]  }
0x11d: {  	v0 =	vadd.f32 @!p0 v2, v0  }
0x11e: {  	v2 =	vld @!p0 [tilespmem:$0xE80]  }
0x11f: {  	v0 =	vadd.f32 @!p0 v3, v0  }
0x120: {  	v3 =	vld @!p0 [tilespmem:$0xF00]  }
0x121: {  	v0 =	vadd.f32 @!p0 v1, v0  }
0x122: {  	v1 =	vld @!p0 [tilespmem:$0xF80]  }
0x123: {  	v0 =	vadd.f32 @!p0 v2, v0  }
0x124: {  	v2 =	vld @!p0 [tilespmem:$0x1000]  }
0x125: {  	v0 =	vadd.f32 @!p0 v3, v0  }
0x126: {  	v3 =	vld @!p0 [tilespmem:$0x1080]  }
0x127: {  	v0 =	vadd.f32 @!p0 v1, v0;
	_ =	sdelay $0x1  }
0x128: {  	v0 =	vadd.f32 @!p0 v2, v0;
	_ =	sdelay $0x1  }
0x129: {  	v0 =	vadd.f32 @!p0 v3, v0;
	_ =	sdelay $0x1  }
0x12a: {  	(xrf2) =	vadd.scan.msk.f32 @!p0 $0xffff, v0;
	_ =	sdelay $0x9  }
0x12b: {  	v0, _, _ =	vpop @!p0 (xrf2)  }
0x12c: {  	v0 =	vbroadcast @!p0 v0, $0xF;
	_ =	sdelay $0x1  }
0x12d: {  	s4 =	simm.s32 @!p0 $0x1190;
	s3 =	simm.s32 @!p0 $0x0;
	[tilespmem:$0x1190] =	vst @!p0 v0  }
0x12e: {  	[hbm4b:s1+s3] =	stream.linear.scatter @!p0 [tilespmem:s4], [sflag:$0x4], $0x80, $0x38;
	[tilespmem:$0x1210] =	vst v63  }
0x12f: {  	_ =	swait.ge @!p0 [sflag:s2], $0x80  }
0x130: {  	[sflag:s2] =	ssyncset.done @!p0 $0x0  }
0x131: {  	[sflag:s2] =	ssyncadd.s32 @!p0 $0xFFFFFF80  }
0x132: {  	_ =	sfence.sel @!p0 $0x180000  }
0x133: {  	[bflag:$0x0] =	sbarrier.arrive @!p0 $0xFFFF  }
0x134: {  	_ =	strace @!p0 $0x90000047  }
0x135: {  	s0 =	sadd.s32 @!p0 $0x100000, s0;
	[bflag:$0x2] =	sbarrier.arrive @!p0 $0xFFFF  }
0x136: {  	[sflag:s0] =	ssyncadd.tile.s32 @!p0 $0x1;
	_ =	shalt  }
.Lfunc_end2:
_tile_overlayer_lowered:
.L_overlay_start_2:
0x137: {  	(tag) =	ssettag $0x2  }
0x138: {  	s0 =	rddreg [dreg:$0x0];
	s2 =	stileid.u32  }
0x139: {  	s1 =	rddreg [dreg:$0x1];
	p0 =	sne.s32 s2, $0x0  }
0x13a: {  	s3 =	rddreg [dreg:$0x2];
	[bflag:$0x3] =	sbarrier.arrive $0xFFFF;
	s2 =	simm.s32 @!p0 $0x1C04  }
0x13b: {  	[timem:s3], [sflag:s2] =	dma.local @!p0 [hbm:s0], s1  }
0x13c: {  	s0 =	simm.s32 @!p0 $0x4  }
0x13d: {  	_ =	swait.ge @!p0 [sflag:s0], s1  }
0x13e: {  	s1 =	ssub.s32 @!p0 $0x0, s1;
	[sflag:s0] =	ssyncset.done @!p0 $0x0  }
0x13f: {  	[sflag:s0] =	ssyncadd.s32 @!p0 s1  }
0x140: {  	[bflag:$0x3] =	sbarrier.arrive $0xFFFF  }
0x141: {  	_ =	shalt  }

</sc_bundles>
